<compile_context>
chip_gen: v7x
topology: tpu7x:2x2x1
jax: 0.10.2.dev20260603
libtpu: 0.0.44.dev20260713+nightly
codegen_flags: <defaults>
</compile_context>

<pallas_src>
import functools

import jax
import jax.numpy as jnp
from jax import lax
from jax.experimental import pallas as pl
from jax.experimental.pallas import tpu as pltpu
from jax.experimental.pallas import tpu_sc as plsc

_N = 3584
_KEEP = 7 * 512
_K = int(0.6 * _N)
_BR = 512
_STEPS = _N // _BR
_HB = _BR // 2
_NCH = _N // 16


def _sums_kernel(xa_ref, xb_ref, dw_ref, colabs_ref, dwc_ref):
    i = pl.program_id(0)
    xa = xa_ref[...]
    xb = xb_ref[...]
    rsa = jnp.sum(jnp.sum(xa, axis=0), axis=1, keepdims=True)
    rsb = jnp.sum(jnp.sum(xb, axis=0), axis=1, keepdims=True)
    dwc_ref[pl.ds(i * _BR, _HB), :] = rsa
    dwc_ref[pl.ds(i * _BR + _HB, _HB), :] = rsb
    part = jnp.sum(jnp.abs(xa), axis=1) + jnp.sum(jnp.abs(xb), axis=1)

    @pl.when(i == 0)
    def _():
        colabs_ref[0:1, 0:_KEEP] = jnp.zeros((1, _KEEP), jnp.float32)

    for j in range(7):
        colabs_ref[0:1, j * 512:(j + 1) * 512] = (
            colabs_ref[0:1, j * 512:(j + 1) * 512] + part[j:j + 1, :])

    @pl.when(i == _STEPS - 1)
    def _():
        dw_ref[...] = jnp.transpose(dwc_ref[...])


def _topk_sc(dw_hbm, colabs_hbm, out_hbm, dw_v, cl_v, bits_v, hist_v, res_v):
    cid = lax.axis_index("c")
    sid = lax.axis_index("s")

    @pl.when((cid == 0) & (sid == 0))
    def _():
        pltpu.sync_copy(dw_hbm, dw_v)
        pltpu.sync_copy(colabs_hbm, cl_v)

        one16 = jnp.ones((16,), jnp.int32)
        zero16 = jnp.zeros((16,), jnp.int32)
        lane = lax.iota(jnp.int32, 16)
        big = jnp.int32(1 << 30)

        def zero_hist(nchunks):
            def zb(i, c):
                hist_v[pl.ds(i * 16, 16)] = zero16
                return c
            lax.fori_loop(0, nchunks, zb, 0)

        def scan_find(nchunks, base):
            def sb(i, carry):
                cum, found = carry
                h = hist_v[pl.ds(i * 16, 16)]
                cumv = cum + plsc.cumsum(h)
                idx16 = lane + i * 16
                cand = jnp.min(jnp.where(base + cumv >= _K, idx16, big))
                return (cum + jnp.sum(h), jnp.minimum(found, cand))

            _, b = lax.fori_loop(0, nchunks, sb, (jnp.int32(0), big))

            def nb(i, acc):
                h = hist_v[pl.ds(i * 16, 16)]
                idx16 = lane + i * 16
                return acc + jnp.where(idx16 < b, h, 0)

            nbel = jnp.sum(lax.fori_loop(0, nchunks, nb,
                                         jnp.zeros((16,), jnp.int32)))
            return b, nbel

        zero_hist(32)

        def build_l1(i, c):
            for u in range(4):
                o = (i * 4 + u) * 16
                b = plsc.bitcast(jnp.abs(dw_v[pl.ds(o, 16)]), jnp.int32)
                bits_v[pl.ds(o, 16)] = b
                plsc.addupdate_scatter(
                    hist_v, [lax.shift_right_logical(b, 22)], one16)
            return c

        lax.fori_loop(0, _NCH // 4, build_l1, 0)
        b9, nb1 = scan_find(32, jnp.int32(0))

        zero_hist(128)

        def build_l2(i, c):
            for u in range(4):
                o = (i * 4 + u) * 16
                b = bits_v[pl.ds(o, 16)]
                sel = lax.shift_right_logical(b, 22) == b9
                idx = jnp.bitwise_and(lax.shift_right_logical(b, 11), 2047)
                plsc.addupdate_scatter(hist_v, [idx], one16, mask=sel)
            return c

        lax.fori_loop(0, _NCH // 4, build_l2, 0)
        b11, nb2 = scan_find(128, nb1)

        hi20 = jnp.bitwise_or(lax.shift_left(b9, 11), b11)
        zero_hist(128)

        def build_l3(i, c):
            for u in range(4):
                o = (i * 4 + u) * 16
                b = bits_v[pl.ds(o, 16)]
                sel = lax.shift_right_logical(b, 11) == hi20
                idx = jnp.bitwise_and(b, 2047)
                plsc.addupdate_scatter(hist_v, [idx], one16, mask=sel)
            return c

        lax.fori_loop(0, _NCH // 4, build_l3, 0)
        b0, nb3 = scan_find(128, nb1 + nb2)

        thr = jnp.bitwise_or(lax.shift_left(hi20, 11), b0)
        n_lt = nb1 + nb2 + nb3
        extra = _K - n_lt

        def fin(i, carry):
            tiecnt, acc = carry
            for u in range(4):
                o = (i * 4 + u) * 16
                x = bits_v[pl.ds(o, 16)]
                sel_lt = x < thr
                eq01 = jnp.where(x == thr, 1, 0).astype(jnp.int32)
                cum = plsc.cumsum(eq01)
                tie_ok = (eq01 > 0) & ((tiecnt + cum) <= extra)
                m = jnp.where(sel_lt | tie_ok, 1.0, 0.0)
                acc = acc + m * cl_v[pl.ds(o, 16)]
                tiecnt = tiecnt + jnp.sum(eq01)
            return (tiecnt, acc)

        _, acc = lax.fori_loop(
            0, _NCH // 4, fin,
            (jnp.int32(0), jnp.zeros((16,), jnp.float32)))
        res_v[...] = jnp.broadcast_to(jnp.sum(acc), (16,))
        pltpu.sync_copy(res_v, out_hbm)


def kernel(ref_latents, iters):
    xt = jnp.transpose(ref_latents, (1, 0, 2))
    dw, colabs = pl.pallas_call(
        _sums_kernel,
        grid=(_STEPS,),
        in_specs=[pl.BlockSpec((7, _HB, 512), lambda i: (0, 2 * i, 0)),
                  pl.BlockSpec((7, _HB, 512), lambda i: (0, 2 * i + 1, 0))],
        out_specs=[pl.BlockSpec((1, _N), lambda i: (0, 0)),
                   pl.BlockSpec((1, _KEEP), lambda i: (0, 0))],
        out_shape=[jax.ShapeDtypeStruct((1, _N), jnp.float32),
                   jax.ShapeDtypeStruct((1, _KEEP), jnp.float32)],
        scratch_shapes=[pltpu.VMEM((_N, 1), jnp.float32)],
    )(xt, xt)

    mesh = plsc.VectorSubcoreMesh(core_axis_name="c", subcore_axis_name="s")
    topk = functools.partial(
        pl.kernel,
        out_type=jax.ShapeDtypeStruct((16,), jnp.float32),
        mesh=mesh,
        compiler_params=pltpu.CompilerParams(needs_layout_passes=False),
        scratch_types=[pltpu.VMEM((_N,), jnp.float32),
                       pltpu.VMEM((_N,), jnp.float32),
                       pltpu.VMEM((_N,), jnp.int32),
                       pltpu.VMEM((2048,), jnp.int32),
                       pltpu.VMEM((16,), jnp.float32)],
    )(_topk_sc)
    masked = topk(dw.reshape(_N), colabs.reshape(_KEEP))

    rw = jnp.maximum(0.0, (iters - 50) / (300 - 50))
    return rw * (masked[0] / (_N * _KEEP))

# --- scband reference (transcript-rebuilt; emitter-appended) ---
"""Pipeline reference for scband-gradual-style-loss-25451976196790 (READ-ONLY COPY).

The authoritative reference and input builder live on the scoring server;
editing this copy changes nothing except your own understanding.
"""

import jax, jax.numpy as jnp
import numpy as np

# Constants mirroring GradualStyleLoss.__init__ (self.iter is None in the torch
# code and must be set externally before forward; we fix it to 300 here).
PSP_ALPHA = 0.6
SLIDING_WINDOW_SIZE = 50
NUM_KEEP_FIRST = 7
ITER_TOTAL = 300


def setup_inputs(seed: int = 0) -> dict:
    key = jax.random.key(seed)
    k1 = jax.random.fold_in(key, 1)
    ref_latents = jax.random.normal(k1, (3584, 18, 512), dtype=jnp.float32)
    iters = 100  # scalar int, batch['inv_data']['iters']
    return {"ref_latents": ref_latents, "iters": iters}


def reference(ref_latents, iters):
    batch_size = ref_latents.shape[0]
    target_encodings = ref_latents.reshape(batch_size, -1)
    if NUM_KEEP_FIRST > 0:
        keep_num = NUM_KEEP_FIRST * 512
        target_encodings = target_encodings[:, 0:keep_num]
    regular_weight = jnp.maximum(0.0, (iters - SLIDING_WINDOW_SIZE) / (ITER_TOTAL - SLIDING_WINDOW_SIZE))
    # self.prev is None on first call -> zeros_like
    prev = jnp.zeros_like(target_encodings)
    # dynamic_loss
    num_channel = prev.shape[0]  # len(self.prev)
    delta_w = (target_encodings - prev).mean(axis=1)
    order = jnp.argsort(jnp.abs(delta_w))
    chosen_order = order[: int(PSP_ALPHA * num_channel)]
    cond = jnp.zeros((num_channel,), dtype=target_encodings.dtype)
    cond = cond.at[chosen_order].set(1.0)
    cond = cond[None, :]
    te_masked = cond * target_encodings
    prev_masked = cond * prev
    loss = jnp.mean(jnp.abs(te_masked - prev_masked))  # F.l1_loss
    return regular_weight * loss

if __name__ == "__main__":
    import jax
    _d = setup_inputs()
    print(jax.jit(kernel)(*tuple(_d.values())))

</pallas_src>

<mosaic_0001>
#map = affine_map<(d0, d1) -> (0)>
module attributes {stable_mosaic.version = 14 : i64} {
  func.func @_topk_sc(%arg0: i32, %arg1: i32, %arg2: memref<3584xf32, #tpu.memory_space<hbm>>, %arg3: memref<3584xf32, #tpu.memory_space<hbm>>, %arg4: memref<16xf32, #tpu.memory_space<hbm>>, %arg5: memref<3584xf32, #tpu.memory_space<vmem>>, %arg6: memref<3584xf32, #tpu.memory_space<vmem>>, %arg7: memref<3584xi32, #tpu.memory_space<vmem>>, %arg8: memref<2048xi32, #tpu.memory_space<vmem>>, %arg9: memref<16xf32, #tpu.memory_space<vmem>>) attributes {dimension_semantics = [#tpu.dimension_semantics<core_parallel>, #tpu.dimension_semantics<subcore_parallel>], iteration_bounds = array<i64: 2, 16>, scalar_prefetch = 0 : i64, scratch_operands = 5 : i64, tpu.core_type = #tpu.core_type<sc_vector_subcore>, window_params = [{transform_indices = #map}, {transform_indices = #map}, {transform_indices = #map}]} {
    %eq3A = arith.constant 0 : i32
    %eq3A_0 = arith.cmpi eq, %arg0, %eq3A : i32
    %eq3A_1 = arith.constant 0 : i32
    %eq3A_2 = arith.cmpi eq, %arg1, %eq3A_1 : i32
    %and3A = arith.andi %eq3A_0, %eq3A_2 : i1
    %convert_element_type3A = arith.extui %and3A : i1 to i32
    %cond3A = arith.constant 0 : i32
    %cond3A_3 = arith.cmpi ne, %convert_element_type3A, %cond3A : i32
    scf.if %cond3A_3 {
      "tpu.region"() ({
        %run_scoped3A = tpu.sem_alloc : memref<!tpu.dma_semaphore, #tpu.memory_space<semaphore_mem>>
        tpu.enqueue_dma source(%arg2 : memref<3584xf32, #tpu.memory_space<hbm>>) target(%arg5 : memref<3584xf32, #tpu.memory_space<vmem>>) target_semaphore(%run_scoped3A : memref<!tpu.dma_semaphore, #tpu.memory_space<semaphore_mem>>)
        tpu.wait_dma2 semaphore(%run_scoped3A : memref<!tpu.dma_semaphore, #tpu.memory_space<semaphore_mem>>) src(%arg2 : memref<3584xf32, #tpu.memory_space<hbm>>) dst(%arg5 : memref<3584xf32, #tpu.memory_space<vmem>>)
        tpu.yield
      }) : () -> ()
      "tpu.region"() ({
        %run_scoped3A = tpu.sem_alloc : memref<!tpu.dma_semaphore, #tpu.memory_space<semaphore_mem>>
        tpu.enqueue_dma source(%arg3 : memref<3584xf32, #tpu.memory_space<hbm>>) target(%arg6 : memref<3584xf32, #tpu.memory_space<vmem>>) target_semaphore(%run_scoped3A : memref<!tpu.dma_semaphore, #tpu.memory_space<semaphore_mem>>)
        tpu.wait_dma2 semaphore(%run_scoped3A : memref<!tpu.dma_semaphore, #tpu.memory_space<semaphore_mem>>) src(%arg3 : memref<3584xf32, #tpu.memory_space<hbm>>) dst(%arg6 : memref<3584xf32, #tpu.memory_space<vmem>>)
        tpu.yield
      }) : () -> ()
      %broadcast_in_dim3A = arith.constant 1 : i32
      %broadcast_in_dim3A_4 = vector.broadcast %broadcast_in_dim3A : i32 to vector<16xi32>
      %broadcast_in_dim3A_5 = arith.constant 0 : i32
      %broadcast_in_dim3A_6 = vector.broadcast %broadcast_in_dim3A_5 : i32 to vector<16xi32>
      %iota3A = tpu.iota {dimensions = array<i32: 0>} : vector<16xi32>
      %scan3A = arith.constant 0 : i32
      %scan3A_7 = arith.constant 0 : i32
      %scan3A_8 = arith.constant 32 : i32
      %scan3A_9 = arith.addi %scan3A_7, %scan3A_8 : i32
      %scan3A_10 = arith.constant 1 : i32
      scf.for %scan3A_127 = %scan3A_7 to %scan3A_9 step %scan3A_10  : i32 {
        %mul3A = arith.constant 16 : i32
        %mul3A_128 = arith.muli %scan3A_127, %mul3A : i32
        %swap3A_129 = arith.index_cast %mul3A_128 : i32 to index
        %swap3A_130 = tpu.vector_load %arg8[%swap3A_129] {strides = array<i32>} : memref<2048xi32, #tpu.memory_space<vmem>>, vector<16xi32>,
        tpu.vector_store %arg8[%swap3A_129], %broadcast_in_dim3A_6 {strides = array<i32>} : memref<2048xi32, #tpu.memory_space<vmem>>, vector<16xi32>,
      }
      %scan3A_11 = arith.constant 32 : i32
      %scan3A_12 = arith.constant 0 : i32
      %scan3A_13 = arith.constant 0 : i32
      %scan3A_14 = arith.constant 56 : i32
      %scan3A_15 = arith.addi %scan3A_13, %scan3A_14 : i32
      %scan3A_16 = arith.constant 1 : i32
      scf.for %scan3A_127 = %scan3A_13 to %scan3A_15 step %scan3A_16  : i32 {
        %mul3A = arith.constant 4 : i32
        %mul3A_128 = arith.muli %scan3A_127, %mul3A : i32
        %add3A_129 = arith.constant 0 : i32
        %add3A_130 = arith.addi %mul3A_128, %add3A_129 : i32
        %mul3A_131 = arith.constant 16 : i32
        %mul3A_132 = arith.muli %add3A_130, %mul3A_131 : i32
        %get3A = arith.index_cast %mul3A_132 : i32 to index
        %get3A_133 = tpu.vector_load %arg5[%get3A] {strides = array<i32>} : memref<3584xf32, #tpu.memory_space<vmem>>, vector<16xf32>,
        %abs3A = math.absf %get3A_133 : vector<16xf32>
        %bitcast3A = vector.bitcast %abs3A : vector<16xf32> to vector<16xi32>
        %swap3A_134 = arith.index_cast %mul3A_132 : i32 to index
        %swap3A_135 = tpu.vector_load %arg7[%swap3A_134] {strides = array<i32>} : memref<3584xi32, #tpu.memory_space<vmem>>, vector<16xi32>,
        tpu.vector_store %arg7[%swap3A_134], %bitcast3A {strides = array<i32>} : memref<3584xi32, #tpu.memory_space<vmem>>, vector<16xi32>,
        %shift_right_logical3A = arith.constant 22 : i32
        %shift_right_logical3A_136 = vector.broadcast %shift_right_logical3A : i32 to vector<16xi32>
        %shift_right_logical3A_137 = arith.shrui %bitcast3A, %shift_right_logical3A_136 : vector<16xi32>
        tpu.vector_store_idx %arg8[%shift_right_logical3A_137], %broadcast_in_dim3A_4 {add = true} : memref<2048xi32, #tpu.memory_space<vmem>>[vector<16xi32>], vector<16xi32>,
        %mul3A_138 = arith.constant 4 : i32
        %mul3A_139 = arith.muli %scan3A_127, %mul3A_138 : i32
        %add3A_140 = arith.constant 1 : i32
        %add3A_141 = arith.addi %mul3A_139, %add3A_140 : i32
        %mul3A_142 = arith.constant 16 : i32
        %mul3A_143 = arith.muli %add3A_141, %mul3A_142 : i32
        %get3A_144 = arith.index_cast %mul3A_143 : i32 to index
        %get3A_145 = tpu.vector_load %arg5[%get3A_144] {strides = array<i32>} : memref<3584xf32, #tpu.memory_space<vmem>>, vector<16xf32>,
        %abs3A_146 = math.absf %get3A_145 : vector<16xf32>
        %bitcast3A_147 = vector.bitcast %abs3A_146 : vector<16xf32> to vector<16xi32>
        %swap3A_148 = arith.index_cast %mul3A_143 : i32 to index
        %swap3A_149 = tpu.vector_load %arg7[%swap3A_148] {strides = array<i32>} : memref<3584xi32, #tpu.memory_space<vmem>>, vector<16xi32>,
        tpu.vector_store %arg7[%swap3A_148], %bitcast3A_147 {strides = array<i32>} : memref<3584xi32, #tpu.memory_space<vmem>>, vector<16xi32>,
        %shift_right_logical3A_150 = arith.constant 22 : i32
        %shift_right_logical3A_151 = vector.broadcast %shift_right_logical3A_150 : i32 to vector<16xi32>
        %shift_right_logical3A_152 = arith.shrui %bitcast3A_147, %shift_right_logical3A_151 : vector<16xi32>
        tpu.vector_store_idx %arg8[%shift_right_logical3A_152], %broadcast_in_dim3A_4 {add = true} : memref<2048xi32, #tpu.memory_space<vmem>>[vector<16xi32>], vector<16xi32>,
        %mul3A_153 = arith.constant 4 : i32
        %mul3A_154 = arith.muli %scan3A_127, %mul3A_153 : i32
        %add3A_155 = arith.constant 2 : i32
        %add3A_156 = arith.addi %mul3A_154, %add3A_155 : i32
        %mul3A_157 = arith.constant 16 : i32
        %mul3A_158 = arith.muli %add3A_156, %mul3A_157 : i32
        %get3A_159 = arith.index_cast %mul3A_158 : i32 to index
        %get3A_160 = tpu.vector_load %arg5[%get3A_159] {strides = array<i32>} : memref<3584xf32, #tpu.memory_space<vmem>>, vector<16xf32>,
        %abs3A_161 = math.absf %get3A_160 : vector<16xf32>
        %bitcast3A_162 = vector.bitcast %abs3A_161 : vector<16xf32> to vector<16xi32>
        %swap3A_163 = arith.index_cast %mul3A_158 : i32 to index
        %swap3A_164 = tpu.vector_load %arg7[%swap3A_163] {strides = array<i32>} : memref<3584xi32, #tpu.memory_space<vmem>>, vector<16xi32>,
        tpu.vector_store %arg7[%swap3A_163], %bitcast3A_162 {strides = array<i32>} : memref<3584xi32, #tpu.memory_space<vmem>>, vector<16xi32>,
        %shift_right_logical3A_165 = arith.constant 22 : i32
        %shift_right_logical3A_166 = vector.broadcast %shift_right_logical3A_165 : i32 to vector<16xi32>
        %shift_right_logical3A_167 = arith.shrui %bitcast3A_162, %shift_right_logical3A_166 : vector<16xi32>
        tpu.vector_store_idx %arg8[%shift_right_logical3A_167], %broadcast_in_dim3A_4 {add = true} : memref<2048xi32, #tpu.memory_space<vmem>>[vector<16xi32>], vector<16xi32>,
        %mul3A_168 = arith.constant 4 : i32
        %mul3A_169 = arith.muli %scan3A_127, %mul3A_168 : i32
        %add3A_170 = arith.constant 3 : i32
        %add3A_171 = arith.addi %mul3A_169, %add3A_170 : i32
        %mul3A_172 = arith.constant 16 : i32
        %mul3A_173 = arith.muli %add3A_171, %mul3A_172 : i32
        %get3A_174 = arith.index_cast %mul3A_173 : i32 to index
        %get3A_175 = tpu.vector_load %arg5[%get3A_174] {strides = array<i32>} : memref<3584xf32, #tpu.memory_space<vmem>>, vector<16xf32>,
        %abs3A_176 = math.absf %get3A_175 : vector<16xf32>
        %bitcast3A_177 = vector.bitcast %abs3A_176 : vector<16xf32> to vector<16xi32>
        %swap3A_178 = arith.index_cast %mul3A_173 : i32 to index
        %swap3A_179 = tpu.vector_load %arg7[%swap3A_178] {strides = array<i32>} : memref<3584xi32, #tpu.memory_space<vmem>>, vector<16xi32>,
        tpu.vector_store %arg7[%swap3A_178], %bitcast3A_177 {strides = array<i32>} : memref<3584xi32, #tpu.memory_space<vmem>>, vector<16xi32>,
        %shift_right_logical3A_180 = arith.constant 22 : i32
        %shift_right_logical3A_181 = vector.broadcast %shift_right_logical3A_180 : i32 to vector<16xi32>
        %shift_right_logical3A_182 = arith.shrui %bitcast3A_177, %shift_right_logical3A_181 : vector<16xi32>
        tpu.vector_store_idx %arg8[%shift_right_logical3A_182], %broadcast_in_dim3A_4 {add = true} : memref<2048xi32, #tpu.memory_space<vmem>>[vector<16xi32>], vector<16xi32>,
      }
      %scan3A_17 = arith.constant 56 : i32
      %scan3A_18 = arith.constant 0 : i32
      %scan3A_19 = arith.constant 1073741824 : i32
      %scan3A_20 = arith.constant 0 : i32
      %scan3A_21 = arith.constant 1073741824 : i32
      %scan3A_22 = arith.constant 0 : i32
      %scan3A_23 = arith.constant 32 : i32
      %scan3A_24 = arith.addi %scan3A_22, %scan3A_23 : i32
      %scan3A_25 = arith.constant 1 : i32
      %scan3A_26:2 = scf.for %scan3A_127 = %scan3A_22 to %scan3A_24 step %scan3A_25 iter_args(%scan3A_128 = %scan3A_20, %scan3A_129 = %scan3A_21) -> (i32, i32)  : i32 {
        %mul3A = arith.constant 16 : i32
        %mul3A_130 = arith.muli %scan3A_127, %mul3A : i32
        %get3A = arith.index_cast %mul3A_130 : i32 to index
        %get3A_131 = tpu.vector_load %arg8[%get3A] {strides = array<i32>} : memref<2048xi32, #tpu.memory_space<vmem>>, vector<16xi32>,
        %broadcast_in_dim3A_132 = arith.constant true
        %broadcast_in_dim3A_133 = vector.broadcast %broadcast_in_dim3A_132 : i1 to vector<16xi1>
        %masked_cumsum3A = tpu.scan <sum>, %get3A_131 masked %broadcast_in_dim3A_133 : vector<16xi32>, vector<16xi1> -> vector<16xi32>
        %add3A_134 = vector.broadcast %scan3A_128 : i32 to vector<16xi32>
        %add3A_135 = arith.addi %add3A_134, %masked_cumsum3A : vector<16xi32>
        %mul3A_136 = arith.constant 16 : i32
        %mul3A_137 = arith.muli %scan3A_127, %mul3A_136 : i32
        %add3A_138 = vector.broadcast %mul3A_137 : i32 to vector<16xi32>
        %add3A_139 = arith.addi %iota3A, %add3A_138 : vector<16xi32>
        %add3A_140 = vector.broadcast %scan3A_18 : i32 to vector<16xi32>
        %add3A_141 = arith.addi %add3A_140, %add3A_135 : vector<16xi32>
        %ge3A = arith.constant 2150 : i32
        %ge3A_142 = vector.broadcast %ge3A : i32 to vector<16xi32>
        %ge3A_143 = arith.cmpi sge, %add3A_141, %ge3A_142 : vector<16xi32>
        %broadcast_in_dim3A_144 = vector.broadcast %scan3A_19 : i32 to vector<16xi32>
        %select_n3A = arith.select %ge3A_143, %add3A_139, %broadcast_in_dim3A_144 : vector<16xi1>, vector<16xi32>
        %reduce_min3A = arith.constant true
        %reduce_min3A_145 = vector.broadcast %reduce_min3A : i1 to vector<16xi1>
        %reduce_min3A_146 = arith.constant -2147483648 : i32
        %reduce_min3A_147 = vector.broadcast %reduce_min3A_146 : i32 to vector<16xi32>
        %reduce_min3A_148 = arith.xori %select_n3A, %reduce_min3A_147 : vector<16xi32>
        %reduce_min3A_149 = tpu.scan <min>, %reduce_min3A_148 masked %reduce_min3A_145 : vector<16xi32>, vector<16xi1> -> vector<16xi32>
        %reduce_min3A_150 = arith.xori %reduce_min3A_149, %reduce_min3A_147 : vector<16xi32>
        %reduce_min3A_151 = vector.extract %reduce_min3A_150[15] : i32 from vector<16xi32>
        %reduce_sum3A_152 = arith.constant true
        %reduce_sum3A_153 = vector.broadcast %reduce_sum3A_152 : i1 to vector<16xi1>
        %reduce_sum3A_154 = tpu.scan <sum>, %get3A_131 masked %reduce_sum3A_153 : vector<16xi32>, vector<16xi1> -> vector<16xi32>
        %reduce_sum3A_155 = vector.extract %reduce_sum3A_154[15] : i32 from vector<16xi32>
        %add3A_156 = arith.addi %scan3A_128, %reduce_sum3A_155 : i32
        %min3A = arith.minsi %scan3A_129, %reduce_min3A_151 : i32
        scf.yield %add3A_156, %min3A : i32, i32
      }
      %scan3A_27 = arith.constant 32 : i32
      %broadcast_in_dim3A_28 = arith.constant 0 : i32
      %broadcast_in_dim3A_29 = vector.broadcast %broadcast_in_dim3A_28 : i32 to vector<16xi32>
      %scan3A_30 = arith.constant 0 : i32
      %scan3A_31 = arith.constant 32 : i32
      %scan3A_32 = arith.addi %scan3A_30, %scan3A_31 : i32
      %scan3A_33 = arith.constant 1 : i32
      %scan3A_34 = scf.for %scan3A_127 = %scan3A_30 to %scan3A_32 step %scan3A_33 iter_args(%scan3A_128 = %broadcast_in_dim3A_29) -> (vector<16xi32>)  : i32 {
        %mul3A = arith.constant 16 : i32
        %mul3A_129 = arith.muli %scan3A_127, %mul3A : i32
        %get3A = arith.index_cast %mul3A_129 : i32 to index
        %get3A_130 = tpu.vector_load %arg8[%get3A] {strides = array<i32>} : memref<2048xi32, #tpu.memory_space<vmem>>, vector<16xi32>,
        %mul3A_131 = arith.constant 16 : i32
        %mul3A_132 = arith.muli %scan3A_127, %mul3A_131 : i32
        %add3A_133 = vector.broadcast %mul3A_132 : i32 to vector<16xi32>
        %add3A_134 = arith.addi %iota3A, %add3A_133 : vector<16xi32>
        %lt3A = vector.broadcast %scan3A_26#1 : i32 to vector<16xi32>
        %lt3A_135 = arith.cmpi slt, %add3A_134, %lt3A : vector<16xi32>
        %jit3A = arith.constant 0 : i32
        %broadcast_in_dim3A_136 = vector.broadcast %jit3A : i32 to vector<16xi32>
        %select_n3A = arith.select %lt3A_135, %get3A_130, %broadcast_in_dim3A_136 : vector<16xi1>, vector<16xi32>
        %add3A_137 = arith.addi %scan3A_128, %select_n3A : vector<16xi32>
        scf.yield %add3A_137 : vector<16xi32>
      }
      %scan3A_35 = arith.constant 32 : i32
      %reduce_sum3A = arith.constant true
      %reduce_sum3A_36 = vector.broadcast %reduce_sum3A : i1 to vector<16xi1>
      %reduce_sum3A_37 = tpu.scan <sum>, %scan3A_34 masked %reduce_sum3A_36 : vector<16xi32>, vector<16xi1> -> vector<16xi32>
      %reduce_sum3A_38 = vector.extract %reduce_sum3A_37[15] : i32 from vector<16xi32>
      %scan3A_39 = arith.constant 0 : i32
      %scan3A_40 = arith.constant 0 : i32
      %scan3A_41 = arith.constant 128 : i32
      %scan3A_42 = arith.addi %scan3A_40, %scan3A_41 : i32
      %scan3A_43 = arith.constant 1 : i32
      scf.for %scan3A_127 = %scan3A_40 to %scan3A_42 step %scan3A_43  : i32 {
        %mul3A = arith.constant 16 : i32
        %mul3A_128 = arith.muli %scan3A_127, %mul3A : i32
        %swap3A_129 = arith.index_cast %mul3A_128 : i32 to index
        %swap3A_130 = tpu.vector_load %arg8[%swap3A_129] {strides = array<i32>} : memref<2048xi32, #tpu.memory_space<vmem>>, vector<16xi32>,
        tpu.vector_store %arg8[%swap3A_129], %broadcast_in_dim3A_6 {strides = array<i32>} : memref<2048xi32, #tpu.memory_space<vmem>>, vector<16xi32>,
      }
      %scan3A_44 = arith.constant 128 : i32
      %scan3A_45 = arith.constant 0 : i32
      %scan3A_46 = arith.constant 0 : i32
      %scan3A_47 = arith.constant 56 : i32
      %scan3A_48 = arith.addi %scan3A_46, %scan3A_47 : i32
      %scan3A_49 = arith.constant 1 : i32
      scf.for %scan3A_127 = %scan3A_46 to %scan3A_48 step %scan3A_49  : i32 {
        %mul3A = arith.constant 4 : i32
        %mul3A_128 = arith.muli %scan3A_127, %mul3A : i32
        %add3A_129 = arith.constant 0 : i32
        %add3A_130 = arith.addi %mul3A_128, %add3A_129 : i32
        %mul3A_131 = arith.constant 16 : i32
        %mul3A_132 = arith.muli %add3A_130, %mul3A_131 : i32
        %get3A = arith.index_cast %mul3A_132 : i32 to index
        %get3A_133 = tpu.vector_load %arg7[%get3A] {strides = array<i32>} : memref<3584xi32, #tpu.memory_space<vmem>>, vector<16xi32>,
        %shift_right_logical3A = arith.constant 22 : i32
        %shift_right_logical3A_134 = vector.broadcast %shift_right_logical3A : i32 to vector<16xi32>
        %shift_right_logical3A_135 = arith.shrui %get3A_133, %shift_right_logical3A_134 : vector<16xi32>
        %eq3A_136 = vector.broadcast %scan3A_26#1 : i32 to vector<16xi32>
        %eq3A_137 = arith.cmpi eq, %shift_right_logical3A_135, %eq3A_136 : vector<16xi32>
        %shift_right_logical3A_138 = arith.constant 11 : i32
        %shift_right_logical3A_139 = vector.broadcast %shift_right_logical3A_138 : i32 to vector<16xi32>
        %shift_right_logical3A_140 = arith.shrui %get3A_133, %shift_right_logical3A_139 : vector<16xi32>
        %and3A_141 = arith.constant 2047 : i32
        %and3A_142 = vector.broadcast %and3A_141 : i32 to vector<16xi32>
        %and3A_143 = arith.andi %shift_right_logical3A_140, %and3A_142 : vector<16xi32>
        tpu.vector_store_idx %arg8[%and3A_143], %broadcast_in_dim3A_4 masked %eq3A_137 {add = true} : memref<2048xi32, #tpu.memory_space<vmem>>[vector<16xi32>], vector<16xi32>, vector<16xi1>
        %mul3A_144 = arith.constant 4 : i32
        %mul3A_145 = arith.muli %scan3A_127, %mul3A_144 : i32
        %add3A_146 = arith.constant 1 : i32
        %add3A_147 = arith.addi %mul3A_145, %add3A_146 : i32
        %mul3A_148 = arith.constant 16 : i32
        %mul3A_149 = arith.muli %add3A_147, %mul3A_148 : i32
        %get3A_150 = arith.index_cast %mul3A_149 : i32 to index
        %get3A_151 = tpu.vector_load %arg7[%get3A_150] {strides = array<i32>} : memref<3584xi32, #tpu.memory_space<vmem>>, vector<16xi32>,
        %shift_right_logical3A_152 = arith.constant 22 : i32
        %shift_right_logical3A_153 = vector.broadcast %shift_right_logical3A_152 : i32 to vector<16xi32>
        %shift_right_logical3A_154 = arith.shrui %get3A_151, %shift_right_logical3A_153 : vector<16xi32>
        %eq3A_155 = vector.broadcast %scan3A_26#1 : i32 to vector<16xi32>
        %eq3A_156 = arith.cmpi eq, %shift_right_logical3A_154, %eq3A_155 : vector<16xi32>
        %shift_right_logical3A_157 = arith.constant 11 : i32
        %shift_right_logical3A_158 = vector.broadcast %shift_right_logical3A_157 : i32 to vector<16xi32>
        %shift_right_logical3A_159 = arith.shrui %get3A_151, %shift_right_logical3A_158 : vector<16xi32>
        %and3A_160 = arith.constant 2047 : i32
        %and3A_161 = vector.broadcast %and3A_160 : i32 to vector<16xi32>
        %and3A_162 = arith.andi %shift_right_logical3A_159, %and3A_161 : vector<16xi32>
        tpu.vector_store_idx %arg8[%and3A_162], %broadcast_in_dim3A_4 masked %eq3A_156 {add = true} : memref<2048xi32, #tpu.memory_space<vmem>>[vector<16xi32>], vector<16xi32>, vector<16xi1>
        %mul3A_163 = arith.constant 4 : i32
        %mul3A_164 = arith.muli %scan3A_127, %mul3A_163 : i32
        %add3A_165 = arith.constant 2 : i32
        %add3A_166 = arith.addi %mul3A_164, %add3A_165 : i32
        %mul3A_167 = arith.constant 16 : i32
        %mul3A_168 = arith.muli %add3A_166, %mul3A_167 : i32
        %get3A_169 = arith.index_cast %mul3A_168 : i32 to index
        %get3A_170 = tpu.vector_load %arg7[%get3A_169] {strides = array<i32>} : memref<3584xi32, #tpu.memory_space<vmem>>, vector<16xi32>,
        %shift_right_logical3A_171 = arith.constant 22 : i32
        %shift_right_logical3A_172 = vector.broadcast %shift_right_logical3A_171 : i32 to vector<16xi32>
        %shift_right_logical3A_173 = arith.shrui %get3A_170, %shift_right_logical3A_172 : vector<16xi32>
        %eq3A_174 = vector.broadcast %scan3A_26#1 : i32 to vector<16xi32>
        %eq3A_175 = arith.cmpi eq, %shift_right_logical3A_173, %eq3A_174 : vector<16xi32>
        %shift_right_logical3A_176 = arith.constant 11 : i32
        %shift_right_logical3A_177 = vector.broadcast %shift_right_logical3A_176 : i32 to vector<16xi32>
        %shift_right_logical3A_178 = arith.shrui %get3A_170, %shift_right_logical3A_177 : vector<16xi32>
        %and3A_179 = arith.constant 2047 : i32
        %and3A_180 = vector.broadcast %and3A_179 : i32 to vector<16xi32>
        %and3A_181 = arith.andi %shift_right_logical3A_178, %and3A_180 : vector<16xi32>
        tpu.vector_store_idx %arg8[%and3A_181], %broadcast_in_dim3A_4 masked %eq3A_175 {add = true} : memref<2048xi32, #tpu.memory_space<vmem>>[vector<16xi32>], vector<16xi32>, vector<16xi1>
        %mul3A_182 = arith.constant 4 : i32
        %mul3A_183 = arith.muli %scan3A_127, %mul3A_182 : i32
        %add3A_184 = arith.constant 3 : i32
        %add3A_185 = arith.addi %mul3A_183, %add3A_184 : i32
        %mul3A_186 = arith.constant 16 : i32
        %mul3A_187 = arith.muli %add3A_185, %mul3A_186 : i32
        %get3A_188 = arith.index_cast %mul3A_187 : i32 to index
        %get3A_189 = tpu.vector_load %arg7[%get3A_188] {strides = array<i32>} : memref<3584xi32, #tpu.memory_space<vmem>>, vector<16xi32>,
        %shift_right_logical3A_190 = arith.constant 22 : i32
        %shift_right_logical3A_191 = vector.broadcast %shift_right_logical3A_190 : i32 to vector<16xi32>
        %shift_right_logical3A_192 = arith.shrui %get3A_189, %shift_right_logical3A_191 : vector<16xi32>
        %eq3A_193 = vector.broadcast %scan3A_26#1 : i32 to vector<16xi32>
        %eq3A_194 = arith.cmpi eq, %shift_right_logical3A_192, %eq3A_193 : vector<16xi32>
        %shift_right_logical3A_195 = arith.constant 11 : i32
        %shift_right_logical3A_196 = vector.broadcast %shift_right_logical3A_195 : i32 to vector<16xi32>
        %shift_right_logical3A_197 = arith.shrui %get3A_189, %shift_right_logical3A_196 : vector<16xi32>
        %and3A_198 = arith.constant 2047 : i32
        %and3A_199 = vector.broadcast %and3A_198 : i32 to vector<16xi32>
        %and3A_200 = arith.andi %shift_right_logical3A_197, %and3A_199 : vector<16xi32>
        tpu.vector_store_idx %arg8[%and3A_200], %broadcast_in_dim3A_4 masked %eq3A_194 {add = true} : memref<2048xi32, #tpu.memory_space<vmem>>[vector<16xi32>], vector<16xi32>, vector<16xi1>
      }
      %scan3A_50 = arith.constant 56 : i32
      %scan3A_51 = arith.constant 1073741824 : i32
      %scan3A_52 = arith.constant 0 : i32
      %scan3A_53 = arith.constant 1073741824 : i32
      %scan3A_54 = arith.constant 0 : i32
      %scan3A_55 = arith.constant 128 : i32
      %scan3A_56 = arith.addi %scan3A_54, %scan3A_55 : i32
      %scan3A_57 = arith.constant 1 : i32
      %scan3A_58:2 = scf.for %scan3A_127 = %scan3A_54 to %scan3A_56 step %scan3A_57 iter_args(%scan3A_128 = %scan3A_52, %scan3A_129 = %scan3A_53) -> (i32, i32)  : i32 {
        %mul3A = arith.constant 16 : i32
        %mul3A_130 = arith.muli %scan3A_127, %mul3A : i32
        %get3A = arith.index_cast %mul3A_130 : i32 to index
        %get3A_131 = tpu.vector_load %arg8[%get3A] {strides = array<i32>} : memref<2048xi32, #tpu.memory_space<vmem>>, vector<16xi32>,
        %broadcast_in_dim3A_132 = arith.constant true
        %broadcast_in_dim3A_133 = vector.broadcast %broadcast_in_dim3A_132 : i1 to vector<16xi1>
        %masked_cumsum3A = tpu.scan <sum>, %get3A_131 masked %broadcast_in_dim3A_133 : vector<16xi32>, vector<16xi1> -> vector<16xi32>
        %add3A_134 = vector.broadcast %scan3A_128 : i32 to vector<16xi32>
        %add3A_135 = arith.addi %add3A_134, %masked_cumsum3A : vector<16xi32>
        %mul3A_136 = arith.constant 16 : i32
        %mul3A_137 = arith.muli %scan3A_127, %mul3A_136 : i32
        %add3A_138 = vector.broadcast %mul3A_137 : i32 to vector<16xi32>
        %add3A_139 = arith.addi %iota3A, %add3A_138 : vector<16xi32>
        %add3A_140 = vector.broadcast %reduce_sum3A_38 : i32 to vector<16xi32>
        %add3A_141 = arith.addi %add3A_140, %add3A_135 : vector<16xi32>
        %ge3A = arith.constant 2150 : i32
        %ge3A_142 = vector.broadcast %ge3A : i32 to vector<16xi32>
        %ge3A_143 = arith.cmpi sge, %add3A_141, %ge3A_142 : vector<16xi32>
        %broadcast_in_dim3A_144 = vector.broadcast %scan3A_51 : i32 to vector<16xi32>
        %select_n3A = arith.select %ge3A_143, %add3A_139, %broadcast_in_dim3A_144 : vector<16xi1>, vector<16xi32>
        %reduce_min3A = arith.constant true
        %reduce_min3A_145 = vector.broadcast %reduce_min3A : i1 to vector<16xi1>
        %reduce_min3A_146 = arith.constant -2147483648 : i32
        %reduce_min3A_147 = vector.broadcast %reduce_min3A_146 : i32 to vector<16xi32>
        %reduce_min3A_148 = arith.xori %select_n3A, %reduce_min3A_147 : vector<16xi32>
        %reduce_min3A_149 = tpu.scan <min>, %reduce_min3A_148 masked %reduce_min3A_145 : vector<16xi32>, vector<16xi1> -> vector<16xi32>
        %reduce_min3A_150 = arith.xori %reduce_min3A_149, %reduce_min3A_147 : vector<16xi32>
        %reduce_min3A_151 = vector.extract %reduce_min3A_150[15] : i32 from vector<16xi32>
        %reduce_sum3A_152 = arith.constant true
        %reduce_sum3A_153 = vector.broadcast %reduce_sum3A_152 : i1 to vector<16xi1>
        %reduce_sum3A_154 = tpu.scan <sum>, %get3A_131 masked %reduce_sum3A_153 : vector<16xi32>, vector<16xi1> -> vector<16xi32>
        %reduce_sum3A_155 = vector.extract %reduce_sum3A_154[15] : i32 from vector<16xi32>
        %add3A_156 = arith.addi %scan3A_128, %reduce_sum3A_155 : i32
        %min3A = arith.minsi %scan3A_129, %reduce_min3A_151 : i32
        scf.yield %add3A_156, %min3A : i32, i32
      }
      %scan3A_59 = arith.constant 128 : i32
      %broadcast_in_dim3A_60 = arith.constant 0 : i32
      %broadcast_in_dim3A_61 = vector.broadcast %broadcast_in_dim3A_60 : i32 to vector<16xi32>
      %scan3A_62 = arith.constant 0 : i32
      %scan3A_63 = arith.constant 128 : i32
      %scan3A_64 = arith.addi %scan3A_62, %scan3A_63 : i32
      %scan3A_65 = arith.constant 1 : i32
      %scan3A_66 = scf.for %scan3A_127 = %scan3A_62 to %scan3A_64 step %scan3A_65 iter_args(%scan3A_128 = %broadcast_in_dim3A_61) -> (vector<16xi32>)  : i32 {
        %mul3A = arith.constant 16 : i32
        %mul3A_129 = arith.muli %scan3A_127, %mul3A : i32
        %get3A = arith.index_cast %mul3A_129 : i32 to index
        %get3A_130 = tpu.vector_load %arg8[%get3A] {strides = array<i32>} : memref<2048xi32, #tpu.memory_space<vmem>>, vector<16xi32>,
        %mul3A_131 = arith.constant 16 : i32
        %mul3A_132 = arith.muli %scan3A_127, %mul3A_131 : i32
        %add3A_133 = vector.broadcast %mul3A_132 : i32 to vector<16xi32>
        %add3A_134 = arith.addi %iota3A, %add3A_133 : vector<16xi32>
        %lt3A = vector.broadcast %scan3A_58#1 : i32 to vector<16xi32>
        %lt3A_135 = arith.cmpi slt, %add3A_134, %lt3A : vector<16xi32>
        %jit3A = arith.constant 0 : i32
        %broadcast_in_dim3A_136 = vector.broadcast %jit3A : i32 to vector<16xi32>
        %select_n3A = arith.select %lt3A_135, %get3A_130, %broadcast_in_dim3A_136 : vector<16xi1>, vector<16xi32>
        %add3A_137 = arith.addi %scan3A_128, %select_n3A : vector<16xi32>
        scf.yield %add3A_137 : vector<16xi32>
      }
      %scan3A_67 = arith.constant 128 : i32
      %reduce_sum3A_68 = arith.constant true
      %reduce_sum3A_69 = vector.broadcast %reduce_sum3A_68 : i1 to vector<16xi1>
      %reduce_sum3A_70 = tpu.scan <sum>, %scan3A_66 masked %reduce_sum3A_69 : vector<16xi32>, vector<16xi1> -> vector<16xi32>
      %reduce_sum3A_71 = vector.extract %reduce_sum3A_70[15] : i32 from vector<16xi32>
      %shift_left3A = arith.constant 11 : i32
      %shift_left3A_72 = arith.shli %scan3A_26#1, %shift_left3A : i32
      %or3A = arith.ori %shift_left3A_72, %scan3A_58#1 : i32
      %scan3A_73 = arith.constant 0 : i32
      %scan3A_74 = arith.constant 0 : i32
      %scan3A_75 = arith.constant 128 : i32
      %scan3A_76 = arith.addi %scan3A_74, %scan3A_75 : i32
      %scan3A_77 = arith.constant 1 : i32
      scf.for %scan3A_127 = %scan3A_74 to %scan3A_76 step %scan3A_77  : i32 {
        %mul3A = arith.constant 16 : i32
        %mul3A_128 = arith.muli %scan3A_127, %mul3A : i32
        %swap3A_129 = arith.index_cast %mul3A_128 : i32 to index
        %swap3A_130 = tpu.vector_load %arg8[%swap3A_129] {strides = array<i32>} : memref<2048xi32, #tpu.memory_space<vmem>>, vector<16xi32>,
        tpu.vector_store %arg8[%swap3A_129], %broadcast_in_dim3A_6 {strides = array<i32>} : memref<2048xi32, #tpu.memory_space<vmem>>, vector<16xi32>,
      }
      %scan3A_78 = arith.constant 128 : i32
      %scan3A_79 = arith.constant 0 : i32
      %scan3A_80 = arith.constant 0 : i32
      %scan3A_81 = arith.constant 56 : i32
      %scan3A_82 = arith.addi %scan3A_80, %scan3A_81 : i32
      %scan3A_83 = arith.constant 1 : i32
      scf.for %scan3A_127 = %scan3A_80 to %scan3A_82 step %scan3A_83  : i32 {
        %mul3A = arith.constant 4 : i32
        %mul3A_128 = arith.muli %scan3A_127, %mul3A : i32
        %add3A_129 = arith.constant 0 : i32
        %add3A_130 = arith.addi %mul3A_128, %add3A_129 : i32
        %mul3A_131 = arith.constant 16 : i32
        %mul3A_132 = arith.muli %add3A_130, %mul3A_131 : i32
        %get3A = arith.index_cast %mul3A_132 : i32 to index
        %get3A_133 = tpu.vector_load %arg7[%get3A] {strides = array<i32>} : memref<3584xi32, #tpu.memory_space<vmem>>, vector<16xi32>,
        %shift_right_logical3A = arith.constant 11 : i32
        %shift_right_logical3A_134 = vector.broadcast %shift_right_logical3A : i32 to vector<16xi32>
        %shift_right_logical3A_135 = arith.shrui %get3A_133, %shift_right_logical3A_134 : vector<16xi32>
        %eq3A_136 = vector.broadcast %or3A : i32 to vector<16xi32>
        %eq3A_137 = arith.cmpi eq, %shift_right_logical3A_135, %eq3A_136 : vector<16xi32>
        %and3A_138 = arith.constant 2047 : i32
        %and3A_139 = vector.broadcast %and3A_138 : i32 to vector<16xi32>
        %and3A_140 = arith.andi %get3A_133, %and3A_139 : vector<16xi32>
        tpu.vector_store_idx %arg8[%and3A_140], %broadcast_in_dim3A_4 masked %eq3A_137 {add = true} : memref<2048xi32, #tpu.memory_space<vmem>>[vector<16xi32>], vector<16xi32>, vector<16xi1>
        %mul3A_141 = arith.constant 4 : i32
        %mul3A_142 = arith.muli %scan3A_127, %mul3A_141 : i32
        %add3A_143 = arith.constant 1 : i32
        %add3A_144 = arith.addi %mul3A_142, %add3A_143 : i32
        %mul3A_145 = arith.constant 16 : i32
        %mul3A_146 = arith.muli %add3A_144, %mul3A_145 : i32
        %get3A_147 = arith.index_cast %mul3A_146 : i32 to index
        %get3A_148 = tpu.vector_load %arg7[%get3A_147] {strides = array<i32>} : memref<3584xi32, #tpu.memory_space<vmem>>, vector<16xi32>,
        %shift_right_logical3A_149 = arith.constant 11 : i32
        %shift_right_logical3A_150 = vector.broadcast %shift_right_logical3A_149 : i32 to vector<16xi32>
        %shift_right_logical3A_151 = arith.shrui %get3A_148, %shift_right_logical3A_150 : vector<16xi32>
        %eq3A_152 = vector.broadcast %or3A : i32 to vector<16xi32>
        %eq3A_153 = arith.cmpi eq, %shift_right_logical3A_151, %eq3A_152 : vector<16xi32>
        %and3A_154 = arith.constant 2047 : i32
        %and3A_155 = vector.broadcast %and3A_154 : i32 to vector<16xi32>
        %and3A_156 = arith.andi %get3A_148, %and3A_155 : vector<16xi32>
        tpu.vector_store_idx %arg8[%and3A_156], %broadcast_in_dim3A_4 masked %eq3A_153 {add = true} : memref<2048xi32, #tpu.memory_space<vmem>>[vector<16xi32>], vector<16xi32>, vector<16xi1>
        %mul3A_157 = arith.constant 4 : i32
        %mul3A_158 = arith.muli %scan3A_127, %mul3A_157 : i32
        %add3A_159 = arith.constant 2 : i32
        %add3A_160 = arith.addi %mul3A_158, %add3A_159 : i32
        %mul3A_161 = arith.constant 16 : i32
        %mul3A_162 = arith.muli %add3A_160, %mul3A_161 : i32
        %get3A_163 = arith.index_cast %mul3A_162 : i32 to index
        %get3A_164 = tpu.vector_load %arg7[%get3A_163] {strides = array<i32>} : memref<3584xi32, #tpu.memory_space<vmem>>, vector<16xi32>,
        %shift_right_logical3A_165 = arith.constant 11 : i32
        %shift_right_logical3A_166 = vector.broadcast %shift_right_logical3A_165 : i32 to vector<16xi32>
        %shift_right_logical3A_167 = arith.shrui %get3A_164, %shift_right_logical3A_166 : vector<16xi32>
        %eq3A_168 = vector.broadcast %or3A : i32 to vector<16xi32>
        %eq3A_169 = arith.cmpi eq, %shift_right_logical3A_167, %eq3A_168 : vector<16xi32>
        %and3A_170 = arith.constant 2047 : i32
        %and3A_171 = vector.broadcast %and3A_170 : i32 to vector<16xi32>
        %and3A_172 = arith.andi %get3A_164, %and3A_171 : vector<16xi32>
        tpu.vector_store_idx %arg8[%and3A_172], %broadcast_in_dim3A_4 masked %eq3A_169 {add = true} : memref<2048xi32, #tpu.memory_space<vmem>>[vector<16xi32>], vector<16xi32>, vector<16xi1>
        %mul3A_173 = arith.constant 4 : i32
        %mul3A_174 = arith.muli %scan3A_127, %mul3A_173 : i32
        %add3A_175 = arith.constant 3 : i32
        %add3A_176 = arith.addi %mul3A_174, %add3A_175 : i32
        %mul3A_177 = arith.constant 16 : i32
        %mul3A_178 = arith.muli %add3A_176, %mul3A_177 : i32
        %get3A_179 = arith.index_cast %mul3A_178 : i32 to index
        %get3A_180 = tpu.vector_load %arg7[%get3A_179] {strides = array<i32>} : memref<3584xi32, #tpu.memory_space<vmem>>, vector<16xi32>,
        %shift_right_logical3A_181 = arith.constant 11 : i32
        %shift_right_logical3A_182 = vector.broadcast %shift_right_logical3A_181 : i32 to vector<16xi32>
        %shift_right_logical3A_183 = arith.shrui %get3A_180, %shift_right_logical3A_182 : vector<16xi32>
        %eq3A_184 = vector.broadcast %or3A : i32 to vector<16xi32>
        %eq3A_185 = arith.cmpi eq, %shift_right_logical3A_183, %eq3A_184 : vector<16xi32>
        %and3A_186 = arith.constant 2047 : i32
        %and3A_187 = vector.broadcast %and3A_186 : i32 to vector<16xi32>
        %and3A_188 = arith.andi %get3A_180, %and3A_187 : vector<16xi32>
        tpu.vector_store_idx %arg8[%and3A_188], %broadcast_in_dim3A_4 masked %eq3A_185 {add = true} : memref<2048xi32, #tpu.memory_space<vmem>>[vector<16xi32>], vector<16xi32>, vector<16xi1>
      }
      %scan3A_84 = arith.constant 56 : i32
      %add3A = arith.addi %reduce_sum3A_38, %reduce_sum3A_71 : i32
      %scan3A_85 = arith.constant 1073741824 : i32
      %scan3A_86 = arith.constant 0 : i32
      %scan3A_87 = arith.constant 1073741824 : i32
      %scan3A_88 = arith.constant 0 : i32
      %scan3A_89 = arith.constant 128 : i32
      %scan3A_90 = arith.addi %scan3A_88, %scan3A_89 : i32
      %scan3A_91 = arith.constant 1 : i32
      %scan3A_92:2 = scf.for %scan3A_127 = %scan3A_88 to %scan3A_90 step %scan3A_91 iter_args(%scan3A_128 = %scan3A_86, %scan3A_129 = %scan3A_87) -> (i32, i32)  : i32 {
        %mul3A = arith.constant 16 : i32
        %mul3A_130 = arith.muli %scan3A_127, %mul3A : i32
        %get3A = arith.index_cast %mul3A_130 : i32 to index
        %get3A_131 = tpu.vector_load %arg8[%get3A] {strides = array<i32>} : memref<2048xi32, #tpu.memory_space<vmem>>, vector<16xi32>,
        %broadcast_in_dim3A_132 = arith.constant true
        %broadcast_in_dim3A_133 = vector.broadcast %broadcast_in_dim3A_132 : i1 to vector<16xi1>
        %masked_cumsum3A = tpu.scan <sum>, %get3A_131 masked %broadcast_in_dim3A_133 : vector<16xi32>, vector<16xi1> -> vector<16xi32>
        %add3A_134 = vector.broadcast %scan3A_128 : i32 to vector<16xi32>
        %add3A_135 = arith.addi %add3A_134, %masked_cumsum3A : vector<16xi32>
        %mul3A_136 = arith.constant 16 : i32
        %mul3A_137 = arith.muli %scan3A_127, %mul3A_136 : i32
        %add3A_138 = vector.broadcast %mul3A_137 : i32 to vector<16xi32>
        %add3A_139 = arith.addi %iota3A, %add3A_138 : vector<16xi32>
        %add3A_140 = vector.broadcast %add3A : i32 to vector<16xi32>
        %add3A_141 = arith.addi %add3A_140, %add3A_135 : vector<16xi32>
        %ge3A = arith.constant 2150 : i32
        %ge3A_142 = vector.broadcast %ge3A : i32 to vector<16xi32>
        %ge3A_143 = arith.cmpi sge, %add3A_141, %ge3A_142 : vector<16xi32>
        %broadcast_in_dim3A_144 = vector.broadcast %scan3A_85 : i32 to vector<16xi32>
        %select_n3A = arith.select %ge3A_143, %add3A_139, %broadcast_in_dim3A_144 : vector<16xi1>, vector<16xi32>
        %reduce_min3A = arith.constant true
        %reduce_min3A_145 = vector.broadcast %reduce_min3A : i1 to vector<16xi1>
        %reduce_min3A_146 = arith.constant -2147483648 : i32
        %reduce_min3A_147 = vector.broadcast %reduce_min3A_146 : i32 to vector<16xi32>
        %reduce_min3A_148 = arith.xori %select_n3A, %reduce_min3A_147 : vector<16xi32>
        %reduce_min3A_149 = tpu.scan <min>, %reduce_min3A_148 masked %reduce_min3A_145 : vector<16xi32>, vector<16xi1> -> vector<16xi32>
        %reduce_min3A_150 = arith.xori %reduce_min3A_149, %reduce_min3A_147 : vector<16xi32>
        %reduce_min3A_151 = vector.extract %reduce_min3A_150[15] : i32 from vector<16xi32>
        %reduce_sum3A_152 = arith.constant true
        %reduce_sum3A_153 = vector.broadcast %reduce_sum3A_152 : i1 to vector<16xi1>
        %reduce_sum3A_154 = tpu.scan <sum>, %get3A_131 masked %reduce_sum3A_153 : vector<16xi32>, vector<16xi1> -> vector<16xi32>
        %reduce_sum3A_155 = vector.extract %reduce_sum3A_154[15] : i32 from vector<16xi32>
        %add3A_156 = arith.addi %scan3A_128, %reduce_sum3A_155 : i32
        %min3A = arith.minsi %scan3A_129, %reduce_min3A_151 : i32
        scf.yield %add3A_156, %min3A : i32, i32
      }
      %scan3A_93 = arith.constant 128 : i32
      %broadcast_in_dim3A_94 = arith.constant 0 : i32
      %broadcast_in_dim3A_95 = vector.broadcast %broadcast_in_dim3A_94 : i32 to vector<16xi32>
      %scan3A_96 = arith.constant 0 : i32
      %scan3A_97 = arith.constant 128 : i32
      %scan3A_98 = arith.addi %scan3A_96, %scan3A_97 : i32
      %scan3A_99 = arith.constant 1 : i32
      %scan3A_100 = scf.for %scan3A_127 = %scan3A_96 to %scan3A_98 step %scan3A_99 iter_args(%scan3A_128 = %broadcast_in_dim3A_95) -> (vector<16xi32>)  : i32 {
        %mul3A = arith.constant 16 : i32
        %mul3A_129 = arith.muli %scan3A_127, %mul3A : i32
        %get3A = arith.index_cast %mul3A_129 : i32 to index
        %get3A_130 = tpu.vector_load %arg8[%get3A] {strides = array<i32>} : memref<2048xi32, #tpu.memory_space<vmem>>, vector<16xi32>,
        %mul3A_131 = arith.constant 16 : i32
        %mul3A_132 = arith.muli %scan3A_127, %mul3A_131 : i32
        %add3A_133 = vector.broadcast %mul3A_132 : i32 to vector<16xi32>
        %add3A_134 = arith.addi %iota3A, %add3A_133 : vector<16xi32>
        %lt3A = vector.broadcast %scan3A_92#1 : i32 to vector<16xi32>
        %lt3A_135 = arith.cmpi slt, %add3A_134, %lt3A : vector<16xi32>
        %jit3A = arith.constant 0 : i32
        %broadcast_in_dim3A_136 = vector.broadcast %jit3A : i32 to vector<16xi32>
        %select_n3A = arith.select %lt3A_135, %get3A_130, %broadcast_in_dim3A_136 : vector<16xi1>, vector<16xi32>
        %add3A_137 = arith.addi %scan3A_128, %select_n3A : vector<16xi32>
        scf.yield %add3A_137 : vector<16xi32>
      }
      %scan3A_101 = arith.constant 128 : i32
      %reduce_sum3A_102 = arith.constant true
      %reduce_sum3A_103 = vector.broadcast %reduce_sum3A_102 : i1 to vector<16xi1>
      %reduce_sum3A_104 = tpu.scan <sum>, %scan3A_100 masked %reduce_sum3A_103 : vector<16xi32>, vector<16xi1> -> vector<16xi32>
      %reduce_sum3A_105 = vector.extract %reduce_sum3A_104[15] : i32 from vector<16xi32>
      %shift_left3A_106 = arith.constant 11 : i32
      %shift_left3A_107 = arith.shli %or3A, %shift_left3A_106 : i32
      %or3A_108 = arith.ori %shift_left3A_107, %scan3A_92#1 : i32
      %add3A_109 = arith.addi %reduce_sum3A_38, %reduce_sum3A_71 : i32
      %add3A_110 = arith.addi %add3A_109, %reduce_sum3A_105 : i32
      %sub3A = arith.constant 2150 : i32
      %sub3A_111 = arith.subi %sub3A, %add3A_110 : i32
      %broadcast_in_dim3A_112 = arith.constant 0.000000e+00 : f32
      %broadcast_in_dim3A_113 = vector.broadcast %broadcast_in_dim3A_112 : f32 to vector<16xf32>
      %scan3A_114 = arith.constant 0 : i32
      %scan3A_115 = arith.constant 0 : i32
      %scan3A_116 = arith.constant 56 : i32
      %scan3A_117 = arith.addi %scan3A_115, %scan3A_116 : i32
      %scan3A_118 = arith.constant 1 : i32
      %scan3A_119:2 = scf.for %scan3A_127 = %scan3A_115 to %scan3A_117 step %scan3A_118 iter_args(%scan3A_128 = %scan3A_114, %scan3A_129 = %broadcast_in_dim3A_113) -> (i32, vector<16xf32>)  : i32 {
        %mul3A = arith.constant 4 : i32
        %mul3A_130 = arith.muli %scan3A_127, %mul3A : i32
        %add3A_131 = arith.constant 0 : i32
        %add3A_132 = arith.addi %mul3A_130, %add3A_131 : i32
        %mul3A_133 = arith.constant 16 : i32
        %mul3A_134 = arith.muli %add3A_132, %mul3A_133 : i32
        %get3A = arith.index_cast %mul3A_134 : i32 to index
        %get3A_135 = tpu.vector_load %arg7[%get3A] {strides = array<i32>} : memref<3584xi32, #tpu.memory_space<vmem>>, vector<16xi32>,
        %lt3A = vector.broadcast %or3A_108 : i32 to vector<16xi32>
        %lt3A_136 = arith.cmpi slt, %get3A_135, %lt3A : vector<16xi32>
        %eq3A_137 = vector.broadcast %or3A_108 : i32 to vector<16xi32>
        %eq3A_138 = arith.cmpi eq, %get3A_135, %eq3A_137 : vector<16xi32>
        %jit3A = arith.constant 1 : i32
        %jit3A_139 = arith.constant 0 : i32
        %broadcast_in_dim3A_140 = vector.broadcast %jit3A : i32 to vector<16xi32>
        %broadcast_in_dim3A_141 = vector.broadcast %jit3A_139 : i32 to vector<16xi32>
        %select_n3A = arith.select %eq3A_138, %broadcast_in_dim3A_140, %broadcast_in_dim3A_141 : vector<16xi1>, vector<16xi32>
        %broadcast_in_dim3A_142 = arith.constant true
        %broadcast_in_dim3A_143 = vector.broadcast %broadcast_in_dim3A_142 : i1 to vector<16xi1>
        %masked_cumsum3A = tpu.scan <sum>, %select_n3A masked %broadcast_in_dim3A_143 : vector<16xi32>, vector<16xi1> -> vector<16xi32>
        %gt3A = arith.constant 0 : i32
        %gt3A_144 = vector.broadcast %gt3A : i32 to vector<16xi32>
        %gt3A_145 = arith.cmpi sgt, %select_n3A, %gt3A_144 : vector<16xi32>
        %add3A_146 = vector.broadcast %scan3A_128 : i32 to vector<16xi32>
        %add3A_147 = arith.addi %add3A_146, %masked_cumsum3A : vector<16xi32>
        %le3A = vector.broadcast %sub3A_111 : i32 to vector<16xi32>
        %le3A_148 = arith.cmpi sle, %add3A_147, %le3A : vector<16xi32>
        %and3A_149 = arith.andi %gt3A_145, %le3A_148 : vector<16xi1>
        %or3A_150 = arith.ori %lt3A_136, %and3A_149 : vector<16xi1>
        %jit3A_151 = arith.constant 1.000000e+00 : f32
        %jit3A_152 = arith.constant 0.000000e+00 : f32
        %broadcast_in_dim3A_153 = vector.broadcast %jit3A_151 : f32 to vector<16xf32>
        %broadcast_in_dim3A_154 = vector.broadcast %jit3A_152 : f32 to vector<16xf32>
        %select_n3A_155 = arith.select %or3A_150, %broadcast_in_dim3A_153, %broadcast_in_dim3A_154 : vector<16xi1>, vector<16xf32>
        %get3A_156 = arith.index_cast %mul3A_134 : i32 to index
        %get3A_157 = tpu.vector_load %arg6[%get3A_156] {strides = array<i32>} : memref<3584xf32, #tpu.memory_space<vmem>>, vector<16xf32>,
        %mul3A_158 = arith.mulf %select_n3A_155, %get3A_157 : vector<16xf32>
        %add3A_159 = arith.addf %scan3A_129, %mul3A_158 : vector<16xf32>
        %reduce_sum3A_160 = arith.constant true
        %reduce_sum3A_161 = vector.broadcast %reduce_sum3A_160 : i1 to vector<16xi1>
        %reduce_sum3A_162 = tpu.scan <sum>, %select_n3A masked %reduce_sum3A_161 : vector<16xi32>, vector<16xi1> -> vector<16xi32>
        %reduce_sum3A_163 = vector.extract %reduce_sum3A_162[15] : i32 from vector<16xi32>
        %add3A_164 = arith.addi %scan3A_128, %reduce_sum3A_163 : i32
        %mul3A_165 = arith.constant 4 : i32
        %mul3A_166 = arith.muli %scan3A_127, %mul3A_165 : i32
        %add3A_167 = arith.constant 1 : i32
        %add3A_168 = arith.addi %mul3A_166, %add3A_167 : i32
        %mul3A_169 = arith.constant 16 : i32
        %mul3A_170 = arith.muli %add3A_168, %mul3A_169 : i32
        %get3A_171 = arith.index_cast %mul3A_170 : i32 to index
        %get3A_172 = tpu.vector_load %arg7[%get3A_171] {strides = array<i32>} : memref<3584xi32, #tpu.memory_space<vmem>>, vector<16xi32>,
        %lt3A_173 = vector.broadcast %or3A_108 : i32 to vector<16xi32>
        %lt3A_174 = arith.cmpi slt, %get3A_172, %lt3A_173 : vector<16xi32>
        %eq3A_175 = vector.broadcast %or3A_108 : i32 to vector<16xi32>
        %eq3A_176 = arith.cmpi eq, %get3A_172, %eq3A_175 : vector<16xi32>
        %jit3A_177 = arith.constant 1 : i32
        %jit3A_178 = arith.constant 0 : i32
        %broadcast_in_dim3A_179 = vector.broadcast %jit3A_177 : i32 to vector<16xi32>
        %broadcast_in_dim3A_180 = vector.broadcast %jit3A_178 : i32 to vector<16xi32>
        %select_n3A_181 = arith.select %eq3A_176, %broadcast_in_dim3A_179, %broadcast_in_dim3A_180 : vector<16xi1>, vector<16xi32>
        %broadcast_in_dim3A_182 = arith.constant true
        %broadcast_in_dim3A_183 = vector.broadcast %broadcast_in_dim3A_182 : i1 to vector<16xi1>
        %masked_cumsum3A_184 = tpu.scan <sum>, %select_n3A_181 masked %broadcast_in_dim3A_183 : vector<16xi32>, vector<16xi1> -> vector<16xi32>
        %gt3A_185 = arith.constant 0 : i32
        %gt3A_186 = vector.broadcast %gt3A_185 : i32 to vector<16xi32>
        %gt3A_187 = arith.cmpi sgt, %select_n3A_181, %gt3A_186 : vector<16xi32>
        %add3A_188 = vector.broadcast %add3A_164 : i32 to vector<16xi32>
        %add3A_189 = arith.addi %add3A_188, %masked_cumsum3A_184 : vector<16xi32>
        %le3A_190 = vector.broadcast %sub3A_111 : i32 to vector<16xi32>
        %le3A_191 = arith.cmpi sle, %add3A_189, %le3A_190 : vector<16xi32>
        %and3A_192 = arith.andi %gt3A_187, %le3A_191 : vector<16xi1>
        %or3A_193 = arith.ori %lt3A_174, %and3A_192 : vector<16xi1>
        %jit3A_194 = arith.constant 1.000000e+00 : f32
        %jit3A_195 = arith.constant 0.000000e+00 : f32
        %broadcast_in_dim3A_196 = vector.broadcast %jit3A_194 : f32 to vector<16xf32>
        %broadcast_in_dim3A_197 = vector.broadcast %jit3A_195 : f32 to vector<16xf32>
        %select_n3A_198 = arith.select %or3A_193, %broadcast_in_dim3A_196, %broadcast_in_dim3A_197 : vector<16xi1>, vector<16xf32>
        %get3A_199 = arith.index_cast %mul3A_170 : i32 to index
        %get3A_200 = tpu.vector_load %arg6[%get3A_199] {strides = array<i32>} : memref<3584xf32, #tpu.memory_space<vmem>>, vector<16xf32>,
        %mul3A_201 = arith.mulf %select_n3A_198, %get3A_200 : vector<16xf32>
        %add3A_202 = arith.addf %add3A_159, %mul3A_201 : vector<16xf32>
        %reduce_sum3A_203 = arith.constant true
        %reduce_sum3A_204 = vector.broadcast %reduce_sum3A_203 : i1 to vector<16xi1>
        %reduce_sum3A_205 = tpu.scan <sum>, %select_n3A_181 masked %reduce_sum3A_204 : vector<16xi32>, vector<16xi1> -> vector<16xi32>
        %reduce_sum3A_206 = vector.extract %reduce_sum3A_205[15] : i32 from vector<16xi32>
        %add3A_207 = arith.addi %add3A_164, %reduce_sum3A_206 : i32
        %mul3A_208 = arith.constant 4 : i32
        %mul3A_209 = arith.muli %scan3A_127, %mul3A_208 : i32
        %add3A_210 = arith.constant 2 : i32
        %add3A_211 = arith.addi %mul3A_209, %add3A_210 : i32
        %mul3A_212 = arith.constant 16 : i32
        %mul3A_213 = arith.muli %add3A_211, %mul3A_212 : i32
        %get3A_214 = arith.index_cast %mul3A_213 : i32 to index
        %get3A_215 = tpu.vector_load %arg7[%get3A_214] {strides = array<i32>} : memref<3584xi32, #tpu.memory_space<vmem>>, vector<16xi32>,
        %lt3A_216 = vector.broadcast %or3A_108 : i32 to vector<16xi32>
        %lt3A_217 = arith.cmpi slt, %get3A_215, %lt3A_216 : vector<16xi32>
        %eq3A_218 = vector.broadcast %or3A_108 : i32 to vector<16xi32>
        %eq3A_219 = arith.cmpi eq, %get3A_215, %eq3A_218 : vector<16xi32>
        %jit3A_220 = arith.constant 1 : i32
        %jit3A_221 = arith.constant 0 : i32
        %broadcast_in_dim3A_222 = vector.broadcast %jit3A_220 : i32 to vector<16xi32>
        %broadcast_in_dim3A_223 = vector.broadcast %jit3A_221 : i32 to vector<16xi32>
        %select_n3A_224 = arith.select %eq3A_219, %broadcast_in_dim3A_222, %broadcast_in_dim3A_223 : vector<16xi1>, vector<16xi32>
        %broadcast_in_dim3A_225 = arith.constant true
        %broadcast_in_dim3A_226 = vector.broadcast %broadcast_in_dim3A_225 : i1 to vector<16xi1>
        %masked_cumsum3A_227 = tpu.scan <sum>, %select_n3A_224 masked %broadcast_in_dim3A_226 : vector<16xi32>, vector<16xi1> -> vector<16xi32>
        %gt3A_228 = arith.constant 0 : i32
        %gt3A_229 = vector.broadcast %gt3A_228 : i32 to vector<16xi32>
        %gt3A_230 = arith.cmpi sgt, %select_n3A_224, %gt3A_229 : vector<16xi32>
        %add3A_231 = vector.broadcast %add3A_207 : i32 to vector<16xi32>
        %add3A_232 = arith.addi %add3A_231, %masked_cumsum3A_227 : vector<16xi32>
        %le3A_233 = vector.broadcast %sub3A_111 : i32 to vector<16xi32>
        %le3A_234 = arith.cmpi sle, %add3A_232, %le3A_233 : vector<16xi32>
        %and3A_235 = arith.andi %gt3A_230, %le3A_234 : vector<16xi1>
        %or3A_236 = arith.ori %lt3A_217, %and3A_235 : vector<16xi1>
        %jit3A_237 = arith.constant 1.000000e+00 : f32
        %jit3A_238 = arith.constant 0.000000e+00 : f32
        %broadcast_in_dim3A_239 = vector.broadcast %jit3A_237 : f32 to vector<16xf32>
        %broadcast_in_dim3A_240 = vector.broadcast %jit3A_238 : f32 to vector<16xf32>
        %select_n3A_241 = arith.select %or3A_236, %broadcast_in_dim3A_239, %broadcast_in_dim3A_240 : vector<16xi1>, vector<16xf32>
        %get3A_242 = arith.index_cast %mul3A_213 : i32 to index
        %get3A_243 = tpu.vector_load %arg6[%get3A_242] {strides = array<i32>} : memref<3584xf32, #tpu.memory_space<vmem>>, vector<16xf32>,
        %mul3A_244 = arith.mulf %select_n3A_241, %get3A_243 : vector<16xf32>
        %add3A_245 = arith.addf %add3A_202, %mul3A_244 : vector<16xf32>
        %reduce_sum3A_246 = arith.constant true
        %reduce_sum3A_247 = vector.broadcast %reduce_sum3A_246 : i1 to vector<16xi1>
        %reduce_sum3A_248 = tpu.scan <sum>, %select_n3A_224 masked %reduce_sum3A_247 : vector<16xi32>, vector<16xi1> -> vector<16xi32>
        %reduce_sum3A_249 = vector.extract %reduce_sum3A_248[15] : i32 from vector<16xi32>
        %add3A_250 = arith.addi %add3A_207, %reduce_sum3A_249 : i32
        %mul3A_251 = arith.constant 4 : i32
        %mul3A_252 = arith.muli %scan3A_127, %mul3A_251 : i32
        %add3A_253 = arith.constant 3 : i32
        %add3A_254 = arith.addi %mul3A_252, %add3A_253 : i32
        %mul3A_255 = arith.constant 16 : i32
        %mul3A_256 = arith.muli %add3A_254, %mul3A_255 : i32
        %get3A_257 = arith.index_cast %mul3A_256 : i32 to index
        %get3A_258 = tpu.vector_load %arg7[%get3A_257] {strides = array<i32>} : memref<3584xi32, #tpu.memory_space<vmem>>, vector<16xi32>,
        %lt3A_259 = vector.broadcast %or3A_108 : i32 to vector<16xi32>
        %lt3A_260 = arith.cmpi slt, %get3A_258, %lt3A_259 : vector<16xi32>
        %eq3A_261 = vector.broadcast %or3A_108 : i32 to vector<16xi32>
        %eq3A_262 = arith.cmpi eq, %get3A_258, %eq3A_261 : vector<16xi32>
        %jit3A_263 = arith.constant 1 : i32
        %jit3A_264 = arith.constant 0 : i32
        %broadcast_in_dim3A_265 = vector.broadcast %jit3A_263 : i32 to vector<16xi32>
        %broadcast_in_dim3A_266 = vector.broadcast %jit3A_264 : i32 to vector<16xi32>
        %select_n3A_267 = arith.select %eq3A_262, %broadcast_in_dim3A_265, %broadcast_in_dim3A_266 : vector<16xi1>, vector<16xi32>
        %broadcast_in_dim3A_268 = arith.constant true
        %broadcast_in_dim3A_269 = vector.broadcast %broadcast_in_dim3A_268 : i1 to vector<16xi1>
        %masked_cumsum3A_270 = tpu.scan <sum>, %select_n3A_267 masked %broadcast_in_dim3A_269 : vector<16xi32>, vector<16xi1> -> vector<16xi32>
        %gt3A_271 = arith.constant 0 : i32
        %gt3A_272 = vector.broadcast %gt3A_271 : i32 to vector<16xi32>
        %gt3A_273 = arith.cmpi sgt, %select_n3A_267, %gt3A_272 : vector<16xi32>
        %add3A_274 = vector.broadcast %add3A_250 : i32 to vector<16xi32>
        %add3A_275 = arith.addi %add3A_274, %masked_cumsum3A_270 : vector<16xi32>
        %le3A_276 = vector.broadcast %sub3A_111 : i32 to vector<16xi32>
        %le3A_277 = arith.cmpi sle, %add3A_275, %le3A_276 : vector<16xi32>
        %and3A_278 = arith.andi %gt3A_273, %le3A_277 : vector<16xi1>
        %or3A_279 = arith.ori %lt3A_260, %and3A_278 : vector<16xi1>
        %jit3A_280 = arith.constant 1.000000e+00 : f32
        %jit3A_281 = arith.constant 0.000000e+00 : f32
        %broadcast_in_dim3A_282 = vector.broadcast %jit3A_280 : f32 to vector<16xf32>
        %broadcast_in_dim3A_283 = vector.broadcast %jit3A_281 : f32 to vector<16xf32>
        %select_n3A_284 = arith.select %or3A_279, %broadcast_in_dim3A_282, %broadcast_in_dim3A_283 : vector<16xi1>, vector<16xf32>
        %get3A_285 = arith.index_cast %mul3A_256 : i32 to index
        %get3A_286 = tpu.vector_load %arg6[%get3A_285] {strides = array<i32>} : memref<3584xf32, #tpu.memory_space<vmem>>, vector<16xf32>,
        %mul3A_287 = arith.mulf %select_n3A_284, %get3A_286 : vector<16xf32>
        %add3A_288 = arith.addf %add3A_245, %mul3A_287 : vector<16xf32>
        %reduce_sum3A_289 = arith.constant true
        %reduce_sum3A_290 = vector.broadcast %reduce_sum3A_289 : i1 to vector<16xi1>
        %reduce_sum3A_291 = tpu.scan <sum>, %select_n3A_267 masked %reduce_sum3A_290 : vector<16xi32>, vector<16xi1> -> vector<16xi32>
        %reduce_sum3A_292 = vector.extract %reduce_sum3A_291[15] : i32 from vector<16xi32>
        %add3A_293 = arith.addi %add3A_250, %reduce_sum3A_292 : i32
        scf.yield %add3A_293, %add3A_288 : i32, vector<16xf32>
      }
      %scan3A_120 = arith.constant 56 : i32
      %reduce_sum3A_121 = arith.constant true
      %reduce_sum3A_122 = vector.broadcast %reduce_sum3A_121 : i1 to vector<16xi1>
      %reduce_sum3A_123 = tpu.scan <sum>, %scan3A_119#1 masked %reduce_sum3A_122 : vector<16xf32>, vector<16xi1> -> vector<16xf32>
      %reduce_sum3A_124 = vector.extract %reduce_sum3A_123[15] : f32 from vector<16xf32>
      %broadcast_in_dim3A_125 = vector.broadcast %reduce_sum3A_124 : f32 to vector<16xf32>
      %swap3A = arith.constant 0 : index
      %swap3A_126 = tpu.vector_load %arg9[%swap3A] {strides = array<i32>} : memref<16xf32, #tpu.memory_space<vmem>>, vector<16xf32>,
      tpu.vector_store %arg9[%swap3A], %broadcast_in_dim3A_125 {strides = array<i32>} : memref<16xf32, #tpu.memory_space<vmem>>, vector<16xf32>,
      "tpu.region"() ({
        %run_scoped3A = tpu.sem_alloc : memref<!tpu.dma_semaphore, #tpu.memory_space<semaphore_mem>>
        tpu.enqueue_dma source(%arg9 : memref<16xf32, #tpu.memory_space<vmem>>) target(%arg4 : memref<16xf32, #tpu.memory_space<hbm>>) target_semaphore(%run_scoped3A : memref<!tpu.dma_semaphore, #tpu.memory_space<semaphore_mem>>)
        tpu.wait_dma2 semaphore(%run_scoped3A : memref<!tpu.dma_semaphore, #tpu.memory_space<semaphore_mem>>) src(%arg9 : memref<16xf32, #tpu.memory_space<vmem>>) dst(%arg4 : memref<16xf32, #tpu.memory_space<hbm>>)
        tpu.yield
      }) : () -> ()
    } else {
    }
    return
  }
}

module attributes {stable_mosaic.version = 14 : i64} {
  func.func @_sums_kernel(%arg0: i32, %arg1: memref<7x256x512xf32, #tpu.memory_space<vmem>>, %arg2: memref<7x256x512xf32, #tpu.memory_space<vmem>>, %arg3: memref<1x3584xf32, #tpu.memory_space<vmem>>, %arg4: memref<1x3584xf32, #tpu.memory_space<vmem>>, %arg5: memref<3584x1xf32, #tpu.memory_space<vmem>>) attributes {dimension_semantics = [#tpu.dimension_semantics<arbitrary>], iteration_bounds = array<i64: 7>, scalar_prefetch = 0 : i64, scratch_operands = 1 : i64, tpu.core_type = #tpu.core_type<tc>, window_params = [{transform_indices = @transform_0, window_bounds = array<i64: 7, 256, 512>}, {transform_indices = @transform_1, window_bounds = array<i64: 7, 256, 512>}, {pipeline_mode = #tpu.pipeline_mode<synchronous>, transform_indices = @transform_2, window_bounds = array<i64: 1, 3584>}, {pipeline_mode = #tpu.pipeline_mode<synchronous>, transform_indices = @transform_3, window_bounds = array<i64: 1, 3584>}]} {
    %get3A = arith.constant 0 : index
    %get3A_0 = arith.constant 0 : index
    %get3A_1 = arith.constant 0 : index
    %get3A_2 = vector.load %arg1[%get3A, %get3A_0, %get3A_1] : memref<7x256x512xf32, #tpu.memory_space<vmem>>, vector<7x256x512xf32>
    %get3A_3 = arith.constant 0 : index
    %get3A_4 = arith.constant 0 : index
    %get3A_5 = arith.constant 0 : index
    %get3A_6 = vector.load %arg2[%get3A_3, %get3A_4, %get3A_5] : memref<7x256x512xf32, #tpu.memory_space<vmem>>, vector<7x256x512xf32>
    %reduce_sum3A = arith.constant dense<0.000000e+00> : vector<256x512xf32>
    %reduce_sum3A_7 = vector.multi_reduction <add>, %get3A_2, %reduce_sum3A [0] : vector<7x256x512xf32> to vector<256x512xf32>
    %reduce_sum3A_8 = arith.constant dense<0.000000e+00> : vector<256xf32>
    %reduce_sum3A_9 = vector.multi_reduction <add>, %reduce_sum3A_7, %reduce_sum3A_8 [1] : vector<256x512xf32> to vector<256xf32>
    %broadcast_in_dim3A = vector.shape_cast %reduce_sum3A_9 : vector<256xf32> to vector<256x1xf32>
    %reduce_sum3A_10 = arith.constant dense<0.000000e+00> : vector<256x512xf32>
    %reduce_sum3A_11 = vector.multi_reduction <add>, %get3A_6, %reduce_sum3A_10 [0] : vector<7x256x512xf32> to vector<256x512xf32>
    %reduce_sum3A_12 = arith.constant dense<0.000000e+00> : vector<256xf32>
    %reduce_sum3A_13 = vector.multi_reduction <add>, %reduce_sum3A_11, %reduce_sum3A_12 [1] : vector<256x512xf32> to vector<256xf32>
    %broadcast_in_dim3A_14 = vector.shape_cast %reduce_sum3A_13 : vector<256xf32> to vector<256x1xf32>
    %mul3A = arith.constant 512 : i32
    %mul3A_15 = arith.muli %arg0, %mul3A : i32
    %swap3A = arith.index_cast %mul3A_15 : i32 to index
    %swap3A_16 = arith.constant 0 : index
    %swap3A_17 = vector.load %arg5[%swap3A, %swap3A_16] : memref<3584x1xf32, #tpu.memory_space<vmem>>, vector<256x1xf32>
    tpu.vector_store %arg5[%swap3A, %swap3A_16], %broadcast_in_dim3A {strides = array<i32>} : memref<3584x1xf32, #tpu.memory_space<vmem>>, vector<256x1xf32>,
    %mul3A_18 = arith.constant 512 : i32
    %mul3A_19 = arith.muli %arg0, %mul3A_18 : i32
    %add3A = arith.constant 256 : i32
    %add3A_20 = arith.addi %mul3A_19, %add3A : i32
    %swap3A_21 = arith.index_cast %add3A_20 : i32 to index
    %swap3A_22 = arith.constant 0 : index
    %swap3A_23 = vector.load %arg5[%swap3A_21, %swap3A_22] : memref<3584x1xf32, #tpu.memory_space<vmem>>, vector<256x1xf32>
    tpu.vector_store %arg5[%swap3A_21, %swap3A_22], %broadcast_in_dim3A_14 {strides = array<i32>} : memref<3584x1xf32, #tpu.memory_space<vmem>>, vector<256x1xf32>,
    %abs3A = math.absf %get3A_2 : vector<7x256x512xf32>
    %reduce_sum3A_24 = arith.constant dense<0.000000e+00> : vector<7x512xf32>
    %reduce_sum3A_25 = vector.multi_reduction <add>, %abs3A, %reduce_sum3A_24 [1] : vector<7x256x512xf32> to vector<7x512xf32>
    %abs3A_26 = math.absf %get3A_6 : vector<7x256x512xf32>
    %reduce_sum3A_27 = arith.constant dense<0.000000e+00> : vector<7x512xf32>
    %reduce_sum3A_28 = vector.multi_reduction <add>, %abs3A_26, %reduce_sum3A_27 [1] : vector<7x256x512xf32> to vector<7x512xf32>
    %add3A_29 = arith.addf %reduce_sum3A_25, %reduce_sum3A_28 : vector<7x512xf32>
    %eq3A = arith.constant 0 : i32
    %eq3A_30 = arith.cmpi eq, %arg0, %eq3A : i32
    %convert_element_type3A = arith.extui %eq3A_30 : i1 to i32
    %cond3A = arith.constant 0 : i32
    %cond3A_31 = arith.cmpi ne, %convert_element_type3A, %cond3A : i32
    scf.if %cond3A_31 {
      %broadcast_in_dim3A_92 = arith.constant 0.000000e+00 : f32
      %broadcast_in_dim3A_93 = vector.broadcast %broadcast_in_dim3A_92 : f32 to vector<1x3584xf32>
      %swap3A_94 = arith.constant 0 : index
      %swap3A_95 = arith.constant 0 : index
      %swap3A_96 = vector.load %arg4[%swap3A_94, %swap3A_95] : memref<1x3584xf32, #tpu.memory_space<vmem>>, vector<1x3584xf32>
      tpu.vector_store %arg4[%swap3A_94, %swap3A_95], %broadcast_in_dim3A_93 {strides = array<i32>} : memref<1x3584xf32, #tpu.memory_space<vmem>>, vector<1x3584xf32>,
    } else {
    }
    %get3A_32 = arith.constant 0 : index
    %get3A_33 = arith.constant 0 : index
    %get3A_34 = vector.load %arg4[%get3A_32, %get3A_33] : memref<1x3584xf32, #tpu.memory_space<vmem>>, vector<1x512xf32>
    %slice3A = vector.extract_strided_slice %add3A_29 {offsets = [0, 0], sizes = [1, 512], strides = [1, 1]} : vector<7x512xf32> to vector<1x512xf32>
    %add3A_35 = arith.addf %get3A_34, %slice3A : vector<1x512xf32>
    %swap3A_36 = arith.constant 0 : index
    %swap3A_37 = arith.constant 0 : index
    %swap3A_38 = vector.load %arg4[%swap3A_36, %swap3A_37] : memref<1x3584xf32, #tpu.memory_space<vmem>>, vector<1x512xf32>
    tpu.vector_store %arg4[%swap3A_36, %swap3A_37], %add3A_35 {strides = array<i32>} : memref<1x3584xf32, #tpu.memory_space<vmem>>, vector<1x512xf32>,
    %get3A_39 = arith.constant 0 : index
    %get3A_40 = arith.constant 512 : index
    %get3A_41 = vector.load %arg4[%get3A_39, %get3A_40] : memref<1x3584xf32, #tpu.memory_space<vmem>>, vector<1x512xf32>
    %slice3A_42 = vector.extract_strided_slice %add3A_29 {offsets = [1, 0], sizes = [1, 512], strides = [1, 1]} : vector<7x512xf32> to vector<1x512xf32>
    %add3A_43 = arith.addf %get3A_41, %slice3A_42 : vector<1x512xf32>
    %swap3A_44 = arith.constant 0 : index
    %swap3A_45 = arith.constant 512 : index
    %swap3A_46 = vector.load %arg4[%swap3A_44, %swap3A_45] : memref<1x3584xf32, #tpu.memory_space<vmem>>, vector<1x512xf32>
    tpu.vector_store %arg4[%swap3A_44, %swap3A_45], %add3A_43 {strides = array<i32>} : memref<1x3584xf32, #tpu.memory_space<vmem>>, vector<1x512xf32>,
    %get3A_47 = arith.constant 0 : index
    %get3A_48 = arith.constant 1024 : index
    %get3A_49 = vector.load %arg4[%get3A_47, %get3A_48] : memref<1x3584xf32, #tpu.memory_space<vmem>>, vector<1x512xf32>
    %slice3A_50 = vector.extract_strided_slice %add3A_29 {offsets = [2, 0], sizes = [1, 512], strides = [1, 1]} : vector<7x512xf32> to vector<1x512xf32>
    %add3A_51 = arith.addf %get3A_49, %slice3A_50 : vector<1x512xf32>
    %swap3A_52 = arith.constant 0 : index
    %swap3A_53 = arith.constant 1024 : index
    %swap3A_54 = vector.load %arg4[%swap3A_52, %swap3A_53] : memref<1x3584xf32, #tpu.memory_space<vmem>>, vector<1x512xf32>
    tpu.vector_store %arg4[%swap3A_52, %swap3A_53], %add3A_51 {strides = array<i32>} : memref<1x3584xf32, #tpu.memory_space<vmem>>, vector<1x512xf32>,
    %get3A_55 = arith.constant 0 : index
    %get3A_56 = arith.constant 1536 : index
    %get3A_57 = vector.load %arg4[%get3A_55, %get3A_56] : memref<1x3584xf32, #tpu.memory_space<vmem>>, vector<1x512xf32>
    %slice3A_58 = vector.extract_strided_slice %add3A_29 {offsets = [3, 0], sizes = [1, 512], strides = [1, 1]} : vector<7x512xf32> to vector<1x512xf32>
    %add3A_59 = arith.addf %get3A_57, %slice3A_58 : vector<1x512xf32>
    %swap3A_60 = arith.constant 0 : index
    %swap3A_61 = arith.constant 1536 : index
    %swap3A_62 = vector.load %arg4[%swap3A_60, %swap3A_61] : memref<1x3584xf32, #tpu.memory_space<vmem>>, vector<1x512xf32>
    tpu.vector_store %arg4[%swap3A_60, %swap3A_61], %add3A_59 {strides = array<i32>} : memref<1x3584xf32, #tpu.memory_space<vmem>>, vector<1x512xf32>,
    %get3A_63 = arith.constant 0 : index
    %get3A_64 = arith.constant 2048 : index
    %get3A_65 = vector.load %arg4[%get3A_63, %get3A_64] : memref<1x3584xf32, #tpu.memory_space<vmem>>, vector<1x512xf32>
    %slice3A_66 = vector.extract_strided_slice %add3A_29 {offsets = [4, 0], sizes = [1, 512], strides = [1, 1]} : vector<7x512xf32> to vector<1x512xf32>
    %add3A_67 = arith.addf %get3A_65, %slice3A_66 : vector<1x512xf32>
    %swap3A_68 = arith.constant 0 : index
    %swap3A_69 = arith.constant 2048 : index
    %swap3A_70 = vector.load %arg4[%swap3A_68, %swap3A_69] : memref<1x3584xf32, #tpu.memory_space<vmem>>, vector<1x512xf32>
    tpu.vector_store %arg4[%swap3A_68, %swap3A_69], %add3A_67 {strides = array<i32>} : memref<1x3584xf32, #tpu.memory_space<vmem>>, vector<1x512xf32>,
    %get3A_71 = arith.constant 0 : index
    %get3A_72 = arith.constant 2560 : index
    %get3A_73 = vector.load %arg4[%get3A_71, %get3A_72] : memref<1x3584xf32, #tpu.memory_space<vmem>>, vector<1x512xf32>
    %slice3A_74 = vector.extract_strided_slice %add3A_29 {offsets = [5, 0], sizes = [1, 512], strides = [1, 1]} : vector<7x512xf32> to vector<1x512xf32>
    %add3A_75 = arith.addf %get3A_73, %slice3A_74 : vector<1x512xf32>
    %swap3A_76 = arith.constant 0 : index
    %swap3A_77 = arith.constant 2560 : index
    %swap3A_78 = vector.load %arg4[%swap3A_76, %swap3A_77] : memref<1x3584xf32, #tpu.memory_space<vmem>>, vector<1x512xf32>
    tpu.vector_store %arg4[%swap3A_76, %swap3A_77], %add3A_75 {strides = array<i32>} : memref<1x3584xf32, #tpu.memory_space<vmem>>, vector<1x512xf32>,
    %get3A_79 = arith.constant 0 : index
    %get3A_80 = arith.constant 3072 : index
    %get3A_81 = vector.load %arg4[%get3A_79, %get3A_80] : memref<1x3584xf32, #tpu.memory_space<vmem>>, vector<1x512xf32>
    %slice3A_82 = vector.extract_strided_slice %add3A_29 {offsets = [6, 0], sizes = [1, 512], strides = [1, 1]} : vector<7x512xf32> to vector<1x512xf32>
    %add3A_83 = arith.addf %get3A_81, %slice3A_82 : vector<1x512xf32>
    %swap3A_84 = arith.constant 0 : index
    %swap3A_85 = arith.constant 3072 : index
    %swap3A_86 = vector.load %arg4[%swap3A_84, %swap3A_85] : memref<1x3584xf32, #tpu.memory_space<vmem>>, vector<1x512xf32>
    tpu.vector_store %arg4[%swap3A_84, %swap3A_85], %add3A_83 {strides = array<i32>} : memref<1x3584xf32, #tpu.memory_space<vmem>>, vector<1x512xf32>,
    %eq3A_87 = arith.constant 6 : i32
    %eq3A_88 = arith.cmpi eq, %arg0, %eq3A_87 : i32
    %convert_element_type3A_89 = arith.extui %eq3A_88 : i1 to i32
    %cond3A_90 = arith.constant 0 : i32
    %cond3A_91 = arith.cmpi ne, %convert_element_type3A_89, %cond3A_90 : i32
    scf.if %cond3A_91 {
      %get3A_92 = arith.constant 0 : index
      %get3A_93 = arith.constant 0 : index
      %get3A_94 = vector.load %arg5[%get3A_92, %get3A_93] : memref<3584x1xf32, #tpu.memory_space<vmem>>, vector<3584x1xf32>
      %transpose3A = tpu.transpose %get3A_94, [1, 0] : vector<3584x1xf32> -> vector<1x3584xf32>
      %swap3A_95 = arith.constant 0 : index
      %swap3A_96 = arith.constant 0 : index
      %swap3A_97 = vector.load %arg3[%swap3A_95, %swap3A_96] : memref<1x3584xf32, #tpu.memory_space<vmem>>, vector<1x3584xf32>
      tpu.vector_store %arg3[%swap3A_95, %swap3A_96], %transpose3A {strides = array<i32>} : memref<1x3584xf32, #tpu.memory_space<vmem>>, vector<1x3584xf32>,
    } else {
    }
    return
  }
  func.func @transform_0(%arg0: i32) -> (i32, i32, i32) {
    %mul3A = arith.constant 2 : i32
    %mul3A_0 = arith.muli %mul3A, %arg0 : i32
    %c0_i32 = arith.constant 0 : i32
    %c0_i32_1 = arith.constant 0 : i32
    %c0_i32_2 = arith.constant 0 : i32
    return %c0_i32, %mul3A_0, %c0_i32_1 : i32, i32, i32
  }
  func.func @transform_1(%arg0: i32) -> (i32, i32, i32) {
    %mul3A = arith.constant 2 : i32
    %mul3A_0 = arith.muli %mul3A, %arg0 : i32
    %add3A = arith.constant 1 : i32
    %add3A_1 = arith.addi %mul3A_0, %add3A : i32
    %c0_i32 = arith.constant 0 : i32
    %c0_i32_2 = arith.constant 0 : i32
    %c0_i32_3 = arith.constant 0 : i32
    return %c0_i32, %add3A_1, %c0_i32_2 : i32, i32, i32
  }
  func.func @transform_2(%arg0: i32) -> (i32, i32) {
    %c0_i32 = arith.constant 0 : i32
    %c0_i32_0 = arith.constant 0 : i32
    %c0_i32_1 = arith.constant 0 : i32
    return %c0_i32, %c0_i32_0 : i32, i32
  }
  func.func @transform_3(%arg0: i32) -> (i32, i32) {
    %c0_i32 = arith.constant 0 : i32
    %c0_i32_0 = arith.constant 0 : i32
    %c0_i32_1 = arith.constant 0 : i32
    return %c0_i32, %c0_i32_0 : i32, i32
  }
}

</mosaic_0001>

<sc_bundles>
// kernel: kernel.4.cloned.1.call-start
scs
__scs_entry_jumppad:
0x0: {  	(pc) =	sbr.rel $0x88, $3  }
0x1: {  	(tag) =	ssettag $0x0;
	lr =	simm.s32 $0x1  }
0x2: {  	[smem:$0x3F9F] =	sst lr;
	_ =	strace $0xD0000000  }
0x3: {  	_ = 	snop  }
0x4: {  	_ = 	snop  }
0x5: {  	_ = 	snop  }
0x6: {  	_ = 	snop  }
0x7: {  	_ = 	snop  }
__scs_overlays_trampoline_lowered:
0x8: {  	[smem:$0x3FAE] =	sst s0  }
0x9: {  	[smem:$0x3FAF] =	sst s1  }
0xa: {  	[smem:$0x3FB0] =	sst s2  }
0xb: {  	[smem:$0x3FB1] =	sst s3  }
0xc: {  	[smem:$0x3FB2] =	sst s4  }
0xd: {  	[smem:$0x3FB3] =	sst s5  }
0xe: {  	[smem:$0x3FB4] =	sst s6  }
0xf: {  	[smem:$0x3FB5] =	sst s7  }
0x10: {  	[smem:$0x3FB6] =	sst s8  }
0x11: {  	[smem:$0x3FB7] =	sst s9;
	s0 =	simm.s32 @!p0 $0x0  }
0x12: {  	s1 =	sld [smem:$0x3F9D];
	s0 =	simm.s32 @p0 $0x1  }
0x13: {  	[smem:$0x3FB8] =	sst s0;
	s0 =	simm.s32 @!p1 $0x0  }
0x14: {  	s2 =	sld [smem:$0x3F9C];
	s0 =	simm.s32 @p1 $0x1  }
0x15: {  	[smem:$0x3FB9] =	sst s0;
	s0 =	simm.s32 @!p2 $0x0  }
0x16: {  	s3 =	sld [smem:$0x3FDB];
	s0 =	simm.s32 @p2 $0x1  }
0x17: {  	s4 =	simm.s32 $0x1BF5;
	[smem:$0x3FBB] =	sst s0  }
0x18: {  	s0 =	sld [smem:$0x3F9E];
	_ =	swait.ge [sflag:s4], $0x0  }
0x19: {  	s7 =	sld [smem:$0x3F9F]  }
0x1a: {  	s8 =	sadd.s32 $0xFFFFE003, lr  }
0x1b: {  	s9 =	sadd.s32 $0xFFFFFEF7, lr;
	s5 =	simm.s32 $0xFFFFFFFF;
	p2 =	slt.u32 s8, $0xFFFFF086  }
0x1c: {  	p1 =	slt.u32 s9, $0xF7A;
	s5 =	simm.s32 @!p2 $0x0  }
0x1d: {  	s5 =	simm.s32 @p1 $0x1;
	p0 =	seq.s32 s7, s2  }
0x1e: {  	s7 =	smul.u32 @!p0 $0xF7A, s2;
	p2 =	seq.s32 @!p0 s5, $0x0  }
0x1f: {  	s9 =	smul.u32 $0xF7A, s1;
	s8 =	simm.s32 @!p0 $0x1BF5;
	p2 =	por !p2, p0  }
0x20: {  	[sflag:s8] =	ssyncset.s32 @!p0 $0xFFFFF086;
	s6 =	sadd.s32 @!p0 s3, s7;
	s7 =	simm.s32 @!p0 $0x108  }
0x21: {  	s3 =	sadd.s32 s3, s9;
	s6 =	sadd.s32 @!p0 $0x88, s6;
	s7 =	simm.s32 @p2 $0x1082  }
0x22: {  	[simem:s7], [sflag:s8] =	dma.local @!p0 [hbm:s6], $0xF7A  }
0x23: {  	s9 =	sor.u32 $0xD0000000, s2;
	s6 =	simm.s32 $0x108;
	_ =	swait.ge @!p0 [sflag:s8], $0x0  }
0x24: {  	s3 =	sadd.s32 $0x88, s3;
	s6 =	simm.s32 @!p1 $0x1082;
	[sflag:s4] =	ssyncset.s32 $0xFFFFF086  }
0x25: {  	[simem:s6], [sflag:s4] =	dma.local [hbm:s3], $0xF7A  }
0x26: {  	[smem:$0x3F9F] =	sst s1;
	(tag) =	ssettag s2;
	_ =	strace s9  }
0x27: {  	s1 =	sld [smem:$0x3FAF]  }
0x28: {  	s2 =	sld [smem:$0x3FB0]  }
0x29: {  	s4 =	sld [smem:$0x3FB2]  }
0x2a: {  	p0 =	seq.s32 s5, $0x0;
	s5 =	sld [smem:$0x3FB3]  }
0x2b: {  	s6 =	sld [smem:$0x3FB4]  }
0x2c: {  	s7 =	sld [smem:$0x3FB5]  }
0x2d: {  	s3 =	simm.s32 $0x108;
	s8 =	sld [smem:$0x3FB6]  }
0x2e: {  	s3 =	simm.s32 @!p0 $0x1082;
	s9 =	sld [smem:$0x3FB7]  }
0x2f: {  	lr =	sadd.s32 s0, s3;
	s0 =	sld [smem:$0x3FAE]  }
0x30: {  	s3 =	sld [smem:$0x3FB1]  }
0x31: {  	[smem:$0x3FBA] =	sst s10  }
0x32: {  	s10 =	sld [smem:$0x3FB8];
	_ =	sdelay $0x3  }
0x33: {  	p0 =	seq.s32 s10, $0x1;
	s10 =	sld [smem:$0x3FBA];
	_ =	sdelay $0x3  }
0x34: {  	[smem:$0x3FBA] =	sst s10  }
0x35: {  	s10 =	sld [smem:$0x3FB9];
	_ =	sdelay $0x3  }
0x36: {  	p1 =	seq.s32 s10, $0x1;
	s10 =	sld [smem:$0x3FBA];
	_ =	sdelay $0x3  }
0x37: {  	[smem:$0x3FBA] =	sst s10  }
0x38: {  	s10 =	sld [smem:$0x3FBB]  }
0x39: {  	_ = 	snop;
	(pc) =	sbr.ind lr, $3  }
0x3a: {  	_ = 	snop  }
0x3b: {  	_ = 	snop  }
0x3c: {  	p2 =	seq.s32 s10, $0x1;
	s10 =	sld [smem:$0x3FBA]  }
0x3d: {  	_ =	shalt  }
0x3e: {  	_ =	shalt  }
0x3f: {  	_ =	shalt  }
0x40: {  	_ =	shalt  }
0x41: {  	_ =	shalt  }
0x42: {  	_ =	shalt  }
0x43: {  	_ =	shalt  }
0x44: {  	_ =	shalt  }
0x45: {  	_ =	shalt  }
0x46: {  	_ =	shalt  }
0x47: {  	_ =	shalt  }
0x48: {  	_ =	shalt  }
0x49: {  	_ =	shalt  }
0x4a: {  	_ =	shalt  }
0x4b: {  	_ =	shalt  }
0x4c: {  	_ =	shalt  }
0x4d: {  	_ =	shalt  }
0x4e: {  	_ =	shalt  }
0x4f: {  	_ =	shalt  }
0x50: {  	_ =	shalt  }
0x51: {  	_ =	shalt  }
0x52: {  	_ =	shalt  }
0x53: {  	_ =	shalt  }
0x54: {  	_ =	shalt  }
0x55: {  	_ =	shalt  }
0x56: {  	_ =	shalt  }
0x57: {  	_ =	shalt  }
0x58: {  	_ =	shalt  }
0x59: {  	_ =	shalt  }
0x5a: {  	_ =	shalt  }
0x5b: {  	_ =	shalt  }
0x5c: {  	_ =	shalt  }
0x5d: {  	_ =	shalt  }
0x5e: {  	_ =	shalt  }
0x5f: {  	_ =	shalt  }
0x60: {  	_ =	shalt  }
0x61: {  	_ =	shalt  }
0x62: {  	_ =	shalt  }
0x63: {  	_ =	shalt  }
0x64: {  	_ =	shalt  }
0x65: {  	_ =	shalt  }
0x66: {  	_ =	shalt  }
0x67: {  	_ =	shalt  }
0x68: {  	_ =	shalt  }
0x69: {  	_ =	shalt  }
0x6a: {  	_ =	shalt  }
0x6b: {  	_ =	shalt  }
0x6c: {  	_ =	shalt  }
0x6d: {  	_ =	shalt  }
0x6e: {  	_ =	shalt  }
0x6f: {  	_ =	shalt  }
0x70: {  	_ =	shalt  }
0x71: {  	_ =	shalt  }
0x72: {  	_ =	shalt  }
0x73: {  	_ =	shalt  }
0x74: {  	_ =	shalt  }
0x75: {  	_ =	shalt  }
0x76: {  	_ =	shalt  }
0x77: {  	_ =	shalt  }
0x78: {  	_ =	shalt  }
0x79: {  	_ =	shalt  }
0x7a: {  	_ =	shalt  }
0x7b: {  	_ =	shalt  }
0x7c: {  	_ =	shalt  }
0x7d: {  	_ =	shalt  }
0x7e: {  	_ =	shalt  }
0x7f: {  	_ =	shalt  }
0x80: {  	_ =	shalt  }
0x81: {  	_ =	shalt  }
0x82: {  	_ =	shalt  }
0x83: {  	_ =	shalt  }
0x84: {  	_ =	shalt  }
0x85: {  	_ =	shalt  }
0x86: {  	_ =	shalt  }
0x87: {  	_ =	shalt  }
.Lfunc_end0:
.L_simem_size_0:
called_computation_lowered:
.L_overlay_start_0:
0x88: {  	s2 =	sld [smem:$0x3FD9]  }
0x89: {  	s3 =	sld [smem:$0x3FFE];
	_ =	sdelay $0x1  }
0x8a: {  	s1 =	srdreg.scid  }
0x8b: {  	s0 =	sand.u32 $0x1, s1  }
0x8c: {  	s17 =	sshll.u32 s0, $0xA;
	s2 =	sadd.s32 s3, s2  }
0x8d: {  	s2 =	sadd.s32 s2, s17  }
0x8e: {  	[smem:$0x3FC6] =	sst s2  }
0x8f: {  	_ = 	snop  }
0x90: {  	s2 =	sld [smem:$0x3FD0];
	(tm) =	ssettm $0x1  }
0x91: {  	s18 =	sld [smem:$0x3FFB];
	_ =	sdelay $0x3  }
0x92: {  	_ =	strace s18  }
0x93: {  	s3 =	sld [smem:$0x3FFC];
	_ =	sdelay $0x3  }
0x94: {  	_ =	strace s3  }
0x95: {  	s3 =	sld [smem:$0x3FFD];
	_ =	sdelay $0x3  }
0x96: {  	_ =	strace s3  }
0x97: {  	_ =	strace $0x8FFFFFFF  }
0x98: {  	s19 =	sld [smem:$0x3FDB];
	_ =	sdelay $0x1  }
0x99: {  	s4 =	simm.s32 $_scs_section_size  }
0x9a: {  	s5 =	simm.s32 $_size__tile_overlayer_lowered;
	s6 =	simm.s32 $_tile_overlayer_lowered  }
0x9b: {  	s22 =	simm.s32 $0x1BFF;
	s21 =	sshll.u32 s6, $0x1;
	s3 =	sadd.s32 s4, s19  }
0x9c: {  	s7 =	simm.s32 $0x0;
	s20 =	sshll.u32 s5, $0x1;
	s5 =	sadd.s32 s21, s3  }
0x9d: {  	[timem:s7], [sflag:s22] =	dma.local [hbm:s5], s20  }
0x9e: {  	_ =	swait.ge [sflag:s22], s20  }
0x9f: {  	s4 =	ssub.s32 $0x0, s20;
	[sflag:s22] =	ssyncset.done $0x0  }
0xa0: {  	[sflag:s22] =	ssyncadd.s32 s4;
	_ =	sdelay $0x1  }
0xa1: {  	s23 =	simm.s32 $0x1B8B  }
0xa2: {  	_ =	swait.ge [sflag:s23], $0x1  }
0xa3: {  	[sflag:s23] =	ssyncset.done $0x0  }
0xa4: {  	s25 =	simm.s32 $0x1B8E;
	s24 =	sld [smem:$0x3FFE];
	[sflag:s23] =	ssyncadd.s32 $0xFFFFFFFF  }
0xa5: {  	s26 =	simm.s32 $execute0_lowered;
	[smem:$0x3FD2] =	sst s25  }
0xa6: {  	s5 =	sshll.u32 s26, $0x1;
	_ =	strace $0x80000046;
	[dreg:$0x1] =	wrdreg $0xFFFFFFFF  }
0xa7: {  	s28 =	simm.s32 $_size_execute0_lowered;
	s3 =	sadd.s32 s3, s5;
	[dreg:$0x0] =	wrdreg $0x0  }
0xa8: {  	s5 =	sshll.u32 s28, $0x1;
	[dreg:$0x2] =	wrdreg s3  }
0xa9: {  	[dreg:$0x3] =	wrdreg s5  }
0xaa: {  	[dreg:$0x4] =	wrdreg $0xC0  }
0xab: {  	_ =	task [dreg:s7], $0x5FFFF  }
0xac: {  	[dreg:$0x1] =	wrdreg $0xFFFFFFFF  }
0xad: {  	[dreg:$0x0] =	wrdreg $0x60  }
0xae: {  	[dreg:$0x2] =	wrdreg s24  }
0xaf: {  	[dreg:$0x3] =	wrdreg s2  }
0xb0: {  	[dreg:$0x4] =	wrdreg $0x9  }
0xb1: {  	_ =	task.clear_ibuf [dreg:s7], $0x5FFFF;
	_ =	strace $0x90000046  }
0xb2: {  	s29 =	simm.s32 $0x9;
	_ =	strace $0x80000048  }
0xb3: {  	_ =	swait.ge [sflag:s29], $0x1  }
0xb4: {  	[sflag:s29] =	ssyncadd.s32 $0xFFFFFFFF  }
0xb5: {  	_ =	strace $0x90000048  }
0xb6: {  	_ =	sfence  }
0xb7: {  	s30 =	sld [smem:$0x0];
	_ =	sdelay $0x2  }
0xb8: {  	s31 =	sshll.u32 s1, $0xD;
	s1 =	sshrl.u32 s1, $0x2  }
0xb9: {  	s3 =	sand.u32 $0x4000, s31;
	s1 =	sadd.s32 s1, s30  }
0xba: {  	s0 =	sor.u32 s3, s0;
	s1 =	sshll.u32 s1, $0x11  }
0xbb: {  	s0 =	sor.u32 s1, s0  }
0xbc: {  	s0 =	sadd.s32 $0x8F2B, s0  }
0xbd: {  	[sflag:s0] =	ssyncadd.remote.s32 $0x1  }
0xbe: {  	_ =	sfence.sel $0xFFFF  }
0xbf: {  	[dreg:$0x0] =	wrdreg $0xFFFFFFFF;
	(pc) =	sbr.abs _section_cstart, $3  }
0xc0: {  	[dreg:$0x1] =	wrdreg $0xFFFFFFFF  }
0xc1: {  	_ =	task.clear_ibuf [dreg:s7], $0x2FFFF;
	_ =	strace $0x9FFFFFFF  }
0xc2: {  	(tm) =	ssettm $0x7FFFFFFF  }
0xc3: {  	_ =	shalt  }
tec
execute0_lowered:
.L_overlay_start_1:
0x0: {  	(tag) =	ssettag $0x1  }
0x1: {  	s0 =	srdreg.scid  }
0x2: {  	s4 =	sand.u32 $0x1, s0;
	s0 =	stileid.u32  }
0x3: {  	s5 =	sor.u32 s0, s4  }
0x4: {  	p0 =	sne.s32 s5, $0x0  }
.Ltmp0:
0x5: {  	_ = 	snop;
	(pc) =	sbr.rel @p0 .LBB2_27-.Ltmp0, $4  }
0x6: {  	_ = 	snop  }
0x7: {  	s2 =	rddreg [dreg:$0x0]  }
0x8: {  	s3 =	rddreg [dreg:$0x1]  }
0x9: {  	s1 =	rddreg [dreg:$0x2];
	_ =	strace $0x80000047  }
0xa: {  	s5 =	ssub.s32 $0x2, s4  }
0xb: {  	s4 =	sadd.s32 $0x200, s2;
	s7 =	simm.s32 $0x1;
	s8 =	simm.s32 $0xE00  }
0xc: {  	v0 =	vimm.s32 $0x0;
	v1 =	vlaneseq.u32;
	s9 =	simm.s32 $0x2A00;
	s10 =	simm.s32 $0x3200;
	s6 =	sshrl.u32 s5, $0x1  }
0xd: {  	v2 =	vimm.s32 $0x1;
	v4 =	vimm.f32 $0.0e+00;
	s11 =	simm.s32 $0x0;
	v3 =	vor.u32 $0x80000000, v1;
	s5 =	ssub.s32 s5, s6;
	s6 =	simm.s32 $0x0  }
.LBB2_2:
0xe: {  	[tilespmem:s6], [sflag:$0x1] =	stream.linear.gather [hbm4b:s2+s6], $0xE00, $0x38;
	[tilespmem:$0x3280] =	vst v63  }
0xf: {  	_ =	swait.ge [sflag:s7], $0xE00  }
0x10: {  	[sflag:s7] =	ssyncset.done $0x0  }
0x11: {  	[sflag:s7] =	ssyncadd.s32 $0xFFFFF200  }
0x12: {  	[tilespmem:s8], [sflag:$0x1] =	stream.linear.gather [hbm4b:s4+s6], $0xE00, $0x38;
	[tilespmem:$0x3280] =	vst v63  }
0x13: {  	_ =	swait.ge [sflag:s7], $0xE00  }
0x14: {  	[sflag:s7] =	ssyncset.done $0x0  }
0x15: {  	[sflag:s7] =	ssyncadd.s32 $0xFFFFF200  }
0x16: {  	[tilespmem:$0x2A00] =	vst v0  }
0x17: {  	[tilespmem:$0x2A10] =	vst v0  }
0x18: {  	[tilespmem:$0x2A20] =	vst v0  }
0x19: {  	[tilespmem:$0x2A30] =	vst v0  }
0x1a: {  	[tilespmem:$0x2A40] =	vst v0  }
0x1b: {  	[tilespmem:$0x2A50] =	vst v0  }
0x1c: {  	[tilespmem:$0x2A60] =	vst v0  }
0x1d: {  	[tilespmem:$0x2A70] =	vst v0  }
0x1e: {  	[tilespmem:$0x2A80] =	vst v0  }
0x1f: {  	[tilespmem:$0x2A90] =	vst v0  }
0x20: {  	[tilespmem:$0x2AA0] =	vst v0  }
0x21: {  	[tilespmem:$0x2AB0] =	vst v0  }
0x22: {  	[tilespmem:$0x2AC0] =	vst v0  }
0x23: {  	[tilespmem:$0x2AD0] =	vst v0  }
0x24: {  	[tilespmem:$0x2AE0] =	vst v0  }
0x25: {  	[tilespmem:$0x2AF0] =	vst v0  }
0x26: {  	[tilespmem:$0x2B00] =	vst v0  }
0x27: {  	[tilespmem:$0x2B10] =	vst v0  }
0x28: {  	[tilespmem:$0x2B20] =	vst v0  }
0x29: {  	[tilespmem:$0x2B30] =	vst v0  }
0x2a: {  	[tilespmem:$0x2B40] =	vst v0  }
0x2b: {  	[tilespmem:$0x2B50] =	vst v0  }
0x2c: {  	[tilespmem:$0x2B60] =	vst v0  }
0x2d: {  	[tilespmem:$0x2B70] =	vst v0  }
0x2e: {  	[tilespmem:$0x2B80] =	vst v0  }
0x2f: {  	[tilespmem:$0x2B90] =	vst v0  }
0x30: {  	[tilespmem:$0x2BA0] =	vst v0  }
0x31: {  	[tilespmem:$0x2BB0] =	vst v0  }
0x32: {  	[tilespmem:$0x2BC0] =	vst v0  }
0x33: {  	[tilespmem:$0x2BD0] =	vst v0  }
0x34: {  	[tilespmem:$0x2BE0] =	vst v0  }
0x35: {  	s12 =	simm.s32 $0x0;
	[tilespmem:$0x2BF0] =	vst v0  }
.LBB2_3:
0x36: {  	s14 =	sshra.s32 s12, $0x2  }
0x37: {  	v5 =	vld [tilespmem:s14+$0x0];
	_ =	sdelay $0x4  }
0x38: {  	v5 =	vand.u32 $0x7FFFFFFF, v5  }
0x39: {  	v6 =	vshrl.u32 v5, $0x16;
	_ =	sdelay $0x3  }
0x3a: {  	s13 =	simm.s32 $0x2A00;
	[tilespmem:s14+$0x1C00] =	vst v5  }
0x3b: {  	[tilespmem:v6+s13+$0x0] =	vst.idx.add.s32.msk $0xffff, v2  }
0x3c: {  	v5 =	vld [tilespmem:s14+$0x10];
	_ =	sdelay $0x4  }
0x3d: {  	v5 =	vand.u32 $0x7FFFFFFF, v5  }
0x3e: {  	v6 =	vshrl.u32 v5, $0x16;
	_ =	sdelay $0x3  }
0x3f: {  	[tilespmem:s14+$0x1C10] =	vst v5  }
0x40: {  	[tilespmem:v6+s13+$0x0] =	vst.idx.add.s32.msk $0xffff, v2  }
0x41: {  	v5 =	vld [tilespmem:s14+$0x20];
	_ =	sdelay $0x4  }
0x42: {  	v5 =	vand.u32 $0x7FFFFFFF, v5  }
0x43: {  	v6 =	vshrl.u32 v5, $0x16;
	_ =	sdelay $0x3  }
0x44: {  	[tilespmem:s14+$0x1C20] =	vst v5  }
0x45: {  	[tilespmem:v6+s13+$0x0] =	vst.idx.add.s32.msk $0xffff, v2  }
0x46: {  	v5 =	vld [tilespmem:s14+$0x30];
	_ =	sdelay $0x4  }
0x47: {  	v5 =	vand.u32 $0x7FFFFFFF, v5  }
0x48: {  	p0 =	seq.s32 s12, $0x3700;
	v6 =	vshrl.u32 v5, $0x16  }
.Ltmp1:
0x49: {  	_ = 	snop;
	(pc) =	sbr.rel @!p0 .LBB2_3-.Ltmp1, $3  }
0x4a: {  	_ =	sdelay $0x1  }
0x4b: {  	[tilespmem:s14+$0x1C30] =	vst v5  }
0x4c: {  	s12 =	sadd.s32 $0x100, s12;
	[tilespmem:v6+s13+$0x0] =	vst.idx.add.s32.msk $0xffff, v2  }
0x4d: {  	v5 =	vld [tilespmem:s13+$0x0]  }
0x4e: {  	s17 =	simm.s32 $0x2A10  }
0x4f: {  	v6 =	vld [tilespmem:s17+$0x0];
	_ =	sdelay $0x1  }
0x50: {  	s18 =	simm.s32 $0x2A20  }
0x51: {  	v7 =	vld [tilespmem:s18+$0x0];
	(xrf0) =	vadd.scan.msk.s32 $0xffff, v5;
	_ =	sdelay $0x1  }
0x52: {  	(xrf0) =	vadd.scan.msk.s32 $0xffff, v6;
	_ =	sdelay $0x2  }
0x53: {  	s19 =	simm.s32 $0x2A30;
	(xrf0) =	vadd.scan.msk.s32 $0xffff, v7  }
0x54: {  	v5 =	vld [tilespmem:s19+$0x0];
	v6, _, _ =	vpop (xrf0)  }
0x55: {  	(v2sf) =	vpush v6, $0xF  }
0x56: {  	v7, _, _ =	vpop (xrf0)  }
0x57: {  	(v2sf) =	vpush v7, $0xF  }
0x58: {  	s14 =	simm.s32 $0x0  }
0x59: {  	(xrf0) =	vadd.scan.msk.s32 $0xffff, v5;
	v6 =	vadd.s32 s14, v6;
	v5, _, _ =	vpop (xrf0)  }
0x5a: {  	vm0 =	vgt.s32 v6, $0x865;
	v6 =	vor.u32 s14, v3;
	(v2sf) =	vpush v5, $0xF  }
0x5b: {  	v6 =	vnsel vm0, $0xC0000000, v6  }
0x5c: {  	(xrf0) =	vmin.scan.msk.u32 $0xffff, v6;
	_ =	sdelay $0x4  }
0x5d: {  	v6, _, _ =	vpop (xrf0)  }
0x5e: {  	s20 =	simm.s32 $0x2A40;
	(v2sf) =	vpush v6, $0xF;
	v8, _, _ =	vpop (xrf0)  }
0x5f: {  	(v2sf) =	vpush v8, $0xF;
	v8 =	vld [tilespmem:s20+$0x0]  }
0x60: {  	s22 =	simm.s32 $0x2A50;
	s21 =	spop (v2sf)  }
0x61: {  	v9 =	vld [tilespmem:s22+$0x0];
	s13 =	sadd.s32 $0x0, s21  }
0x62: {  	s23 =	simm.s32 $0x10;
	s15 =	spop (v2sf);
	v7 =	vadd.s32 s13, v7  }
0x63: {  	s13 =	sadd.s32 s13, s15;
	vm12 =	vgt.s32 v7, $0x865;
	v7 =	vor.u32 s23, v3  }
0x64: {  	s24 =	simm.s32 $0x20;
	(xrf0) =	vadd.scan.msk.s32 $0xffff, v8;
	v5 =	vadd.s32 s13, v5;
	v7 =	vnsel vm12, $0xC0000000, v7  }
0x65: {  	s16 =	simm.s32 $0x2A60;
	s25 =	spop (v2sf);
	vm13 =	vgt.s32 v5, $0x865;
	v5 =	vor.u32 s24, v3;
	(xrf0) =	vmin.scan.msk.u32 $0xffff, v7  }
0x66: {  	v10 =	vld [tilespmem:s16+$0x0];
	s13 =	sadd.s32 s13, s25;
	v5 =	vnsel vm13, $0xC0000000, v5;
	(xrf0) =	vadd.scan.msk.s32 $0xffff, v9  }
0x67: {  	s26 =	simm.s32 $0x30;
	v6 =	vadd.s32 s13, v6;
	(xrf0) =	vmin.scan.msk.u32 $0xffff, v5  }
0x68: {  	vm14 =	vgt.s32 v6, $0x865;
	v5 =	vor.u32 s26, v3  }
0x69: {  	v5 =	vnsel vm14, $0xC0000000, v5  }
0x6a: {  	v7, _, _ =	vpop (xrf0)  }
0x6b: {  	(xrf0) =	vadd.scan.msk.s32 $0xffff, v10;
	(v2sf) =	vpush v7, $0xF;
	v8, _, _ =	vpop (xrf0)  }
0x6c: {  	s28 =	simm.s32 $0x2A70;
	(xrf0) =	vmin.scan.msk.u32 $0xffff, v5;
	v5, _, _ =	vpop (xrf0);
	(v2sf) =	vpush v8, $0xF  }
0x6d: {  	v6 =	vld [tilespmem:s28+$0x0];
	(v2sf) =	vpush v5, $0xF;
	v8, _, _ =	vpop (xrf0)  }
0x6e: {  	s29 =	spop (v2sf);
	(v2sf) =	vpush v8, $0xF;
	_ =	sdelay $0x3  }
0x6f: {  	(xrf0) =	vadd.scan.msk.s32 $0xffff, v6;
	v6, _, _ =	vpop (xrf0)  }
0x70: {  	s31 =	spop (v2sf);
	(v2sf) =	vpush v6, $0xF  }
0x71: {  	s17 =	sadd.s32 s13, s29  }
0x72: {  	s30 =	simm.s32 $0x40;
	v7 =	vadd.s32 s17, v7  }
0x73: {  	vm15 =	vgt.s32 v7, $0x865;
	v7 =	vor.u32 s30, v3  }
0x74: {  	v8 =	vnsel vm15, $0xC0000000, v7  }
0x75: {  	s12 =	simm.s32 $0x40000000;
	s18 =	simm.s32 $0x50;
	s19 =	simm.s32 $0x2A80  }
0x76: {  	s14 =	simm.s32 $0x60;
	s20 =	simm.s32 $0x90;
	s16 =	sxor.u32 $0x80000000, s31  }
0x77: {  	s15 =	simm.s32 $0x70;
	s13 =	simm.s32 $0x80;
	p0 =	sgt.s32 s16, $0x40000000;
	v7 =	vld [tilespmem:s19+$0x0];
	(xrf0) =	vmin.scan.msk.u32 $0xffff, v8;
	v8, _, _ =	vpop (xrf0)  }
.LBB2_5:
0x78: {  	s21 =	smov.u32 s12  }
0x79: {  	s12 =	smov.u32 s16;
	s23 =	sadd.s32 $0x10, s20;
	p1 =	seq.s32 s20, $0x1F0  }
0x7a: {  	s22 =	spop (v2sf);
	(v2sf) =	vpush v8, $0xF;
	s12 =	smov.u32 @p0 s21;
	s21 =	smov.u32 s20  }
.Ltmp2:
0x7b: {  	s17 =	sadd.s32 s17, s22;
	(pc) =	sbr.rel @!p1 .LBB2_5-.Ltmp2, $4  }
0x7c: {  	s19 =	sadd.s32 $0x10, s19;
	(xrf0) =	vadd.scan.msk.s32 $0xffff, v7;
	v8 =	vadd.s32 s17, v5;
	v5 =	vmov v6;
	v6, _, _ =	vpop (xrf0)  }
0x7d: {  	v10 =	vor.u32 s18, v3;
	s18 =	smov.u32 s14;
	s14 =	smov.u32 s15;
	v7 =	vld [tilespmem:s19+$0x0];
	(v2sf) =	vpush v6, $0xF;
	vm0 =	vgt.s32 v8, $0x865;
	s16 =	spop (v2sf)  }
0x7e: {  	s15 =	smov.u32 s13;
	s13 =	smov.u32 s21;
	v9 =	vnsel vm0, $0xC0000000, v10;
	s16 =	sxor.u32 $0x80000000, s16  }
0x7f: {  	s20 =	smov.u32 s23;
	(xrf0) =	vmin.scan.msk.u32 $0xffff, v9;
	v8, _, _ =	vpop (xrf0);
	p0 =	slt.s32 s12, s16  }
0x80: {  	_ =	sdelay $0x1  }
0x81: {  	(v2sf) =	vpush v8, $0xF;
	v8, _, _ =	vpop (xrf0)  }
0x82: {  	(v2sf) =	vpush v8, $0xF;
	_ =	sdelay $0x6  }
0x83: {  	s19 =	spop (v2sf)  }
0x84: {  	s17 =	sadd.s32 s17, s19;
	s30 =	spop (v2sf)  }
0x85: {  	v5 =	vadd.s32 s17, v5;
	s20 =	spop (v2sf)  }
0x86: {  	(xrf0) =	vadd.scan.msk.s32 $0xffff, v7;
	vm0 =	vgt.s32 v5, $0x865;
	v5 =	vor.u32 s18, v3;
	s17 =	sadd.s32 s17, s20  }
0x87: {  	v5 =	vnsel vm0, $0xC0000000, v5;
	v6 =	vadd.s32 s17, v6  }
0x88: {  	(xrf0) =	vmin.scan.msk.u32 $0xffff, v5;
	vm12 =	vgt.s32 v6, $0x865;
	v5 =	vor.u32 s14, v3;
	s31 =	spop (v2sf)  }
0x89: {  	v5 =	vnsel vm12, $0xC0000000, v5;
	s21 =	spop (v2sf)  }
0x8a: {  	s22 =	sadd.s32 s17, s21;
	s23 =	spop (v2sf)  }
0x8b: {  	v6, _, _ =	vpop (xrf0);
	v7 =	vadd.s32 s22, v8;
	s24 =	spop (v2sf)  }
0x8c: {  	(xrf0) =	vmin.scan.msk.u32 $0xffff, v5;
	v5, _, _ =	vpop (xrf0);
	v8 =	vor.u32 s15, v3;
	vm13 =	vgt.s32 v7, $0x865;
	s14 =	sadd.s32 s22, s24  }
0x8d: {  	v7 =	vnsel vm13, $0xC0000000, v8;
	v8 =	vadd.s32 s14, v5  }
0x8e: {  	(xrf0) =	vmin.scan.msk.u32 $0xffff, v7;
	v7 =	vor.u32 s13, v3;
	vm14 =	vgt.s32 v8, $0x865  }
0x8f: {  	(v2sf) =	vpush v6, $0xF;
	v6 =	vnsel vm14, $0xC0000000, v7  }
0x90: {  	(v2sf) =	vpush v5, $0xF;
	v5, _, _ =	vpop (xrf0);
	(xrf0) =	vmin.scan.msk.u32 $0xffff, v6  }
0x91: {  	(v2sf) =	vpush v5, $0xF  }
0x92: {  	v5, _, _ =	vpop (xrf0)  }
0x93: {  	(v2sf) =	vpush v5, $0xF  }
0x94: {  	v5, _, _ =	vpop (xrf0)  }
0x95: {  	(v2sf) =	vpush v5, $0xF  }
0x96: {  	v5, _, _ =	vpop (xrf0)  }
0x97: {  	(v2sf) =	vpush v5, $0xF;
	_ =	sdelay $0x1  }
0x98: {  	s16 =	smov.u32 @p0 s12;
	s12 =	sxor.u32 $0x80000000, s30  }
0x99: {  	p0 =	slt.s32 s16, s12  }
0x9a: {  	s12 =	smov.u32 @p0 s16;
	s13 =	sxor.u32 $0x80000000, s31  }
0x9b: {  	p0 =	slt.s32 s12, s13  }
0x9c: {  	s13 =	smov.u32 @p0 s12;
	s12 =	sxor.u32 $0x80000000, s23  }
0x9d: {  	p0 =	slt.s32 s13, s12;
	s25 =	spop (v2sf)  }
0x9e: {  	s12 =	smov.u32 @p0 s13;
	s13 =	sxor.u32 $0x80000000, s25;
	s26 =	spop (v2sf)  }
0x9f: {  	p0 =	slt.s32 s12, s13;
	s14 =	spop (v2sf)  }
0xa0: {  	s13 =	smov.u32 @p0 s12;
	s12 =	sxor.u32 $0x80000000, s14  }
0xa1: {  	s28 =	spop (v2sf);
	p0 =	slt.s32 s13, s12  }
0xa2: {  	s12 =	smov.u32 @p0 s13;
	s13 =	sxor.u32 $0x80000000, s28  }
0xa3: {  	s29 =	spop (v2sf);
	p0 =	slt.s32 s12, s13  }
0xa4: {  	s14 =	sxor.u32 $0x80000000, s29;
	s13 =	smov.u32 @p0 s12  }
0xa5: {  	s31 =	simm.s32 $0x2A00;
	p0 =	slt.s32 s13, s14;
	s30 =	spop (v2sf)  }
0xa6: {  	v7 =	vld [tilespmem:s31+$0x0];
	s14 =	smov.u32 @p0 s13;
	s12 =	sxor.u32 $0x80000000, s30  }
0xa7: {  	p0 =	slt.s32 s14, s12  }
0xa8: {  	s13 =	simm.s32 $0x0;
	s12 =	smov.u32 @p0 s14  }
0xa9: {  	v8 =	vor.u32 s13, v1;
	v5 =	vmov s12  }
0xaa: {  	vm15 =	vlt.s32 v8, v5  }
0xab: {  	s15 =	simm.s32 $0x2A10;
	v6 =	vimm.s32 $0x0;
	s14 =	simm.s32 $0x10;
	v7 =	vnsel vm15, $0x0, v7  }
.LBB2_7:
0xac: {  	v8 =	vld [tilespmem:s15+$0x0];
	p0 =	sne.s32 s14, $0x1F0;
	v6 =	vadd.s32 v6, v7;
	s16 =	smov.u32 s14;
	s14 =	sadd.s32 $0x10, s14  }
.Ltmp3:
0xad: {  	(pc) =	sbr.rel @p0 .LBB2_7-.Ltmp3, $4  }
0xae: {  	_ = 	snop  }
0xaf: {  	v7 =	vor.u32 s16, v1  }
0xb0: {  	vm0 =	vlt.s32 v7, v5  }
0xb1: {  	s15 =	sadd.s32 $0x10, s15;
	v7 =	vnsel vm0, $0x0, v8  }
0xb2: {  	v6 =	vadd.s32 v6, v7  }
.LBB2_9:
0xb3: {  	p0 =	seq.s32 s13, $0x1FC0  }
.Ltmp4:
0xb4: {  	_ = 	snop;
	(pc) =	sbr.rel @!p0 .LBB2_9-.Ltmp4, $3  }
0xb5: {  	_ =	sdelay $0x1  }
0xb6: {  	s14 =	sshra.s32 s13, $0x2  }
0xb7: {  	s13 =	sadd.s32 $0x40, s13;
	[tilespmem:s14+$0x2A00] =	vst v0  }
0xb8: {  	s13 =	simm.s32 $0x0  }
.LBB2_11:
0xb9: {  	s14 =	sshra.s32 s13, $0x2  }
0xba: {  	v7 =	vld [tilespmem:s14+$0x1C00];
	_ =	sdelay $0x4  }
0xbb: {  	v8 =	vshrl.u32 v7, $0x16  }
0xbc: {  	v7 =	vshrl.u32 v7, $0xB;
	vm0 =	veq.s32 v8, v5  }
0xbd: {  	v7 =	vand.u32 $0x7FF, v7;
	_ =	sdelay $0x4  }
0xbe: {  	[tilespmem:v7+s9+$0x0] =	vst.idx.add.s32.msk vm0, v2  }
0xbf: {  	v7 =	vld [tilespmem:s14+$0x1C10];
	_ =	sdelay $0x4  }
0xc0: {  	v8 =	vshrl.u32 v7, $0x16  }
0xc1: {  	v7 =	vshrl.u32 v7, $0xB;
	vm13 =	veq.s32 v8, v5  }
0xc2: {  	v7 =	vand.u32 $0x7FF, v7;
	_ =	sdelay $0x4  }
0xc3: {  	[tilespmem:v7+s9+$0x0] =	vst.idx.add.s32.msk vm13, v2  }
0xc4: {  	v7 =	vld [tilespmem:s14+$0x1C20];
	_ =	sdelay $0x4  }
0xc5: {  	v8 =	vshrl.u32 v7, $0x16  }
0xc6: {  	v7 =	vshrl.u32 v7, $0xB;
	vm14 =	veq.s32 v8, v5  }
0xc7: {  	v7 =	vand.u32 $0x7FF, v7;
	_ =	sdelay $0x4  }
0xc8: {  	[tilespmem:v7+s9+$0x0] =	vst.idx.add.s32.msk vm14, v2  }
0xc9: {  	v7 =	vld [tilespmem:s14+$0x1C30];
	_ =	sdelay $0x4  }
0xca: {  	v8 =	vshrl.u32 v7, $0x16  }
0xcb: {  	v7 =	vshrl.u32 v7, $0xB;
	vm15 =	veq.s32 v8, v5  }
0xcc: {  	p0 =	seq.s32 s13, $0x3700;
	v7 =	vand.u32 $0x7FF, v7  }
.Ltmp5:
0xcd: {  	_ = 	snop;
	(pc) =	sbr.rel @!p0 .LBB2_11-.Ltmp5, $2  }
0xce: {  	_ =	sdelay $0x2  }
0xcf: {  	s13 =	sadd.s32 $0x100, s13;
	[tilespmem:v7+s9+$0x0] =	vst.idx.add.s32.msk vm15, v2  }
0xd0: {  	s15 =	simm.s32 $0x2A00  }
0xd1: {  	v7 =	vld [tilespmem:s15+$0x0]  }
0xd2: {  	s17 =	simm.s32 $0x2A10  }
0xd3: {  	v8 =	vld [tilespmem:s17+$0x0];
	_ =	sdelay $0x1  }
0xd4: {  	(xrf0) =	vadd.scan.msk.s32 $0xffff, v6;
	s18 =	simm.s32 $0x2A20  }
0xd5: {  	v9 =	vld [tilespmem:s18+$0x0];
	(xrf0) =	vadd.scan.msk.s32 $0xffff, v7;
	_ =	sdelay $0x1  }
0xd6: {  	(xrf0) =	vadd.scan.msk.s32 $0xffff, v8;
	_ =	sdelay $0x2  }
0xd7: {  	s19 =	simm.s32 $0x2A30;
	v5, _, _ =	vpop (xrf0);
	(xrf0) =	vadd.scan.msk.s32 $0xffff, v9  }
0xd8: {  	v7 =	vld [tilespmem:s19+$0x0];
	v8, _, _ =	vpop (xrf0)  }
0xd9: {  	(v2sf) =	vpush v8, $0xF  }
0xda: {  	v9, _, _ =	vpop (xrf0)  }
0xdb: {  	v6 =	vbroadcast v5, $0xF;
	(v2sf) =	vpush v9, $0xF  }
0xdc: {  	s14 =	simm.s32 $0x0  }
0xdd: {  	v10 =	vadd.s32 s14, v6;
	(xrf0) =	vadd.scan.msk.s32 $0xffff, v7;
	v7, _, _ =	vpop (xrf0)  }
0xde: {  	v8 =	vadd.s32 v8, v10;
	(v2sf) =	vpush v7, $0xF  }
0xdf: {  	vm0 =	vgt.s32 v8, $0x865;
	v8 =	vor.u32 s14, v3  }
0xe0: {  	v8 =	vnsel vm0, $0xC0000000, v8;
	_ =	sdelay $0x2  }
0xe1: {  	s20 =	simm.s32 $0x2A40;
	(xrf0) =	vmin.scan.msk.u32 $0xffff, v8;
	v8, _, _ =	vpop (xrf0)  }
0xe2: {  	v11 =	vld [tilespmem:s20+$0x0];
	(v2sf) =	vpush v8, $0xF;
	_ =	sdelay $0x3  }
0xe3: {  	s21 =	spop (v2sf)  }
0xe4: {  	s22 =	simm.s32 $0x2A50;
	(xrf0) =	vadd.scan.msk.s32 $0xffff, v11;
	s14 =	sadd.s32 $0x0, s21  }
0xe5: {  	v12 =	vld [tilespmem:s22+$0x0];
	s23 =	spop (v2sf);
	v11 =	vadd.s32 s14, v6  }
0xe6: {  	s16 =	simm.s32 $0x10;
	s24 =	simm.s32 $0x2A60;
	s14 =	sadd.s32 s14, s23;
	v9 =	vadd.s32 v9, v11  }
0xe7: {  	v13 =	vld [tilespmem:s24+$0x0];
	v11 =	vadd.s32 s14, v6;
	vm12 =	vgt.s32 v9, $0x865;
	v9 =	vor.u32 s16, v3  }
0xe8: {  	s26 =	simm.s32 $0x20;
	v10, _, _ =	vpop (xrf0);
	s25 =	spop (v2sf);
	v7 =	vadd.s32 v7, v11;
	v9 =	vnsel vm12, $0xC0000000, v9  }
0xe9: {  	(v2sf) =	vpush v10, $0xF;
	s14 =	sadd.s32 s14, s25;
	vm13 =	vgt.s32 v7, $0x865;
	v7 =	vor.u32 s26, v3;
	(xrf0) =	vmin.scan.msk.u32 $0xffff, v9  }
0xea: {  	v10, _, _ =	vpop (xrf0);
	v9 =	vadd.s32 s14, v6;
	v7 =	vnsel vm13, $0xC0000000, v7;
	(xrf0) =	vadd.scan.msk.s32 $0xffff, v12  }
0xeb: {  	s28 =	simm.s32 $0x30;
	(v2sf) =	vpush v10, $0xF;
	v8 =	vadd.s32 v8, v9;
	(xrf0) =	vmin.scan.msk.u32 $0xffff, v7  }
0xec: {  	s29 =	simm.s32 $0x2A70;
	vm14 =	vgt.s32 v8, $0x865;
	v7 =	vor.u32 s28, v3;
	(xrf0) =	vadd.scan.msk.s32 $0xffff, v13  }
0xed: {  	v8 =	vld [tilespmem:s29+$0x0];
	v7 =	vnsel vm14, $0xC0000000, v7  }
0xee: {  	s30 =	spop (v2sf)  }
0xef: {  	s19 =	sadd.s32 s14, s30;
	v9, _, _ =	vpop (xrf0)  }
0xf0: {  	v11 =	vadd.s32 s19, v6;
	(xrf0) =	vmin.scan.msk.u32 $0xffff, v7;
	v7, _, _ =	vpop (xrf0);
	(v2sf) =	vpush v9, $0xF  }
0xf1: {  	v9 =	vadd.s32 v10, v11;
	(v2sf) =	vpush v7, $0xF;
	v10, _, _ =	vpop (xrf0)  }
0xf2: {  	(xrf0) =	vadd.scan.msk.s32 $0xffff, v8;
	(v2sf) =	vpush v10, $0xF;
	v8, _, _ =	vpop (xrf0)  }
0xf3: {  	(v2sf) =	vpush v8, $0xF;
	_ =	sdelay $0x1  }
0xf4: {  	s31 =	simm.s32 $0x40  }
0xf5: {  	vm15 =	vgt.s32 v9, $0x865;
	v9 =	vor.u32 s31, v3  }
0xf6: {  	s13 =	simm.s32 $0x40000000;
	s18 =	simm.s32 $0x50;
	v10 =	vnsel vm15, $0xC0000000, v9  }
0xf7: {  	s15 =	simm.s32 $0x70;
	s20 =	simm.s32 $0x2A80;
	s17 =	spop (v2sf)  }
0xf8: {  	s21 =	simm.s32 $0x90;
	s16 =	simm.s32 $0x60;
	s17 =	sxor.u32 $0x80000000, s17;
	v9 =	vld [tilespmem:s20+$0x0]  }
0xf9: {  	s14 =	simm.s32 $0x80;
	s22 =	spop (v2sf);
	p0 =	sgt.s32 s17, $0x40000000;
	(xrf0) =	vmin.scan.msk.u32 $0xffff, v10;
	v10, _, _ =	vpop (xrf0)  }
.LBB2_13:
0xfa: {  	s23 =	smov.u32 s13  }
0xfb: {  	s19 =	sadd.s32 s19, s22;
	s13 =	smov.u32 s17;
	s22 =	smov.u32 s21  }
0xfc: {  	p1 =	seq.s32 s21, $0x7F0;
	(v2sf) =	vpush v10, $0xF;
	s13 =	smov.u32 @p0 s23;
	s23 =	sadd.s32 $0x10, s21  }
.Ltmp6:
0xfd: {  	s20 =	sadd.s32 $0x10, s20;
	v11 =	vadd.s32 s19, v6;
	(xrf0) =	vadd.scan.msk.s32 $0xffff, v9;
	v10, _, _ =	vpop (xrf0);
	(pc) =	sbr.rel @!p1 .LBB2_13-.Ltmp6, $4  }
0xfe: {  	v11 =	vadd.s32 v7, v11;
	v7 =	vmovc v8;
	v9 =	vld [tilespmem:s20+$0x0];
	(v2sf) =	vpush v10, $0xF;
	v8 =	vmov v10  }
0xff: {  	v12 =	vor.u32 s18, v3;
	s18 =	smov.u32 s16;
	s16 =	smov.u32 s15;
	vm0 =	vgt.s32 v11, $0x865;
	s17 =	spop (v2sf)  }
0x100: {  	s15 =	smov.u32 s14;
	s14 =	smov.u32 s22;
	v11 =	vnsel vm0, $0xC0000000, v12;
	s17 =	sxor.u32 $0x80000000, s17  }
0x101: {  	s21 =	smov.u32 s23;
	(xrf0) =	vmin.scan.msk.u32 $0xffff, v11;
	s22 =	spop (v2sf);
	v10, _, _ =	vpop (xrf0);
	p0 =	slt.s32 s13, s17  }
0x102: {  	_ = 	snop  }
0x103: {  	(v2sf) =	vpush v10, $0xF;
	v10, _, _ =	vpop (xrf0)  }
0x104: {  	(v2sf) =	vpush v10, $0xF;
	_ =	sdelay $0x9  }
0x105: {  	s19 =	sadd.s32 s19, s22;
	s20 =	spop (v2sf)  }
0x106: {  	(xrf0) =	vadd.scan.msk.s32 $0xffff, v9;
	v9 =	vadd.s32 s19, v6;
	s21 =	spop (v2sf)  }
0x107: {  	v7 =	vadd.s32 v7, v9;
	s19 =	sadd.s32 s19, s21;
	s30 =	spop (v2sf)  }
0x108: {  	vm0 =	vgt.s32 v7, $0x865;
	v7 =	vor.u32 s18, v3;
	v9 =	vadd.s32 s19, v6;
	s31 =	spop (v2sf)  }
0x109: {  	v7 =	vnsel vm0, $0xC0000000, v7;
	v8 =	vadd.s32 v8, v9;
	s18 =	sadd.s32 s19, s31;
	s22 =	spop (v2sf)  }
0x10a: {  	(xrf0) =	vmin.scan.msk.u32 $0xffff, v7;
	vm12 =	vgt.s32 v8, $0x865;
	v7 =	vor.u32 s16, v3;
	v8 =	vadd.s32 s18, v6;
	s23 =	spop (v2sf)  }
0x10b: {  	v7 =	vnsel vm12, $0xC0000000, v7;
	v9, _, _ =	vpop (xrf0);
	v8 =	vadd.s32 v10, v8;
	s16 =	sadd.s32 s18, s23  }
0x10c: {  	v10, _, _ =	vpop (xrf0);
	(xrf0) =	vmin.scan.msk.u32 $0xffff, v7;
	v7 =	vor.u32 s15, v3;
	vm13 =	vgt.s32 v8, $0x865;
	v6 =	vadd.s32 s16, v6  }
0x10d: {  	v7 =	vnsel vm13, $0xC0000000, v7;
	v6 =	vadd.s32 v10, v6  }
0x10e: {  	(xrf0) =	vmin.scan.msk.u32 $0xffff, v7;
	vm14 =	vgt.s32 v6, $0x865;
	v6 =	vor.u32 s14, v3  }
0x10f: {  	(v2sf) =	vpush v9, $0xF;
	v6 =	vnsel vm14, $0xC0000000, v6  }
0x110: {  	(v2sf) =	vpush v10, $0xF;
	v7, _, _ =	vpop (xrf0);
	(xrf0) =	vmin.scan.msk.u32 $0xffff, v6  }
0x111: {  	(v2sf) =	vpush v7, $0xF  }
0x112: {  	v6, _, _ =	vpop (xrf0)  }
0x113: {  	(v2sf) =	vpush v6, $0xF  }
0x114: {  	v6, _, _ =	vpop (xrf0)  }
0x115: {  	(v2sf) =	vpush v6, $0xF  }
0x116: {  	v6, _, _ =	vpop (xrf0)  }
0x117: {  	(v2sf) =	vpush v6, $0xF;
	_ =	sdelay $0x1  }
0x118: {  	s17 =	smov.u32 @p0 s13;
	s13 =	sxor.u32 $0x80000000, s20  }
0x119: {  	p0 =	slt.s32 s17, s13  }
0x11a: {  	s13 =	smov.u32 @p0 s17;
	s14 =	sxor.u32 $0x80000000, s30  }
0x11b: {  	p0 =	slt.s32 s13, s14  }
0x11c: {  	s14 =	smov.u32 @p0 s13;
	s13 =	sxor.u32 $0x80000000, s22  }
0x11d: {  	s24 =	spop (v2sf);
	p0 =	slt.s32 s14, s13  }
0x11e: {  	s13 =	smov.u32 @p0 s14;
	s14 =	sxor.u32 $0x80000000, s24;
	s25 =	spop (v2sf)  }
0x11f: {  	p0 =	slt.s32 s13, s14;
	s15 =	spop (v2sf)  }
0x120: {  	s14 =	smov.u32 @p0 s13;
	s13 =	sxor.u32 $0x80000000, s15  }
0x121: {  	p0 =	slt.s32 s14, s13;
	s26 =	spop (v2sf)  }
0x122: {  	s13 =	smov.u32 @p0 s14;
	s14 =	sxor.u32 $0x80000000, s26  }
0x123: {  	s28 =	spop (v2sf);
	p0 =	slt.s32 s13, s14  }
0x124: {  	s15 =	sxor.u32 $0x80000000, s28;
	s14 =	smov.u32 @p0 s13  }
0x125: {  	s31 =	simm.s32 $0x2A00;
	p0 =	slt.s32 s14, s15;
	s29 =	spop (v2sf)  }
0x126: {  	v8 =	vld [tilespmem:s31+$0x0];
	s15 =	smov.u32 @p0 s14;
	s13 =	sxor.u32 $0x80000000, s29  }
0x127: {  	p0 =	slt.s32 s15, s13  }
0x128: {  	s30 =	simm.s32 $0x0;
	s13 =	smov.u32 @p0 s15  }
0x129: {  	v9 =	vor.u32 s30, v1;
	v7 =	vmov s13  }
0x12a: {  	vm15 =	vlt.s32 v9, v7  }
0x12b: {  	v6 =	vimm.s32 $0x0;
	s14 =	simm.s32 $0x10;
	s15 =	simm.s32 $0x2A10;
	v8 =	vnsel vm15, $0x0, v8  }
.LBB2_15:
0x12c: {  	v9 =	vld [tilespmem:s15+$0x0];
	p0 =	seq.s32 s14, $0x7F0;
	v6 =	vadd.s32 v6, v8;
	s16 =	smov.u32 s14;
	s14 =	sadd.s32 $0x10, s14  }
.Ltmp7:
0x12d: {  	(pc) =	sbr.rel @!p0 .LBB2_15-.Ltmp7, $4  }
0x12e: {  	_ = 	snop  }
0x12f: {  	v8 =	vor.u32 s16, v1  }
0x130: {  	vm0 =	vlt.s32 v8, v7  }
0x131: {  	s15 =	sadd.s32 $0x10, s15;
	v8 =	vnsel vm0, $0x0, v9  }
0x132: {  	v6 =	vadd.s32 v6, v8;
	s14 =	simm.s32 $0x40;
	s15 =	simm.s32 $0x0  }
.LBB2_17:
0x133: {  	p0 =	seq.s32 s14, $0x1FC0;
	[tilespmem:s15+$0x2A00] =	vst v0;
	s15 =	smov.u32 s14;
	s14 =	sadd.s32 $0x40, s14  }
.Ltmp8:
0x134: {  	(pc) =	sbr.rel @!p0 .LBB2_17-.Ltmp8, $2  }
0x135: {  	_ =	sdelay $0x2  }
0x136: {  	s15 =	sshra.s32 s15, $0x2  }
0x137: {  	s12 =	sshll.u32 s12, $0xB  }
0x138: {  	s12 =	sor.u32 s12, s13  }
0x139: {  	[tilespmem:s15+$0x2A00] =	vst v0;
	s13 =	simm.s32 $0x0;
	v7 =	vmov s12  }
.LBB2_19:
0x13a: {  	s14 =	sshra.s32 s13, $0x2  }
0x13b: {  	v8 =	vld [tilespmem:s14+$0x1C00];
	_ =	sdelay $0x4  }
0x13c: {  	v9 =	vshrl.u32 v8, $0xB  }
0x13d: {  	vm0 =	veq.s32 v9, v7  }
0x13e: {  	v8 =	vand.u32 $0x7FF, v8;
	_ =	sdelay $0x4  }
0x13f: {  	[tilespmem:v8+s9+$0x0] =	vst.idx.add.s32.msk vm0, v2  }
0x140: {  	v8 =	vld [tilespmem:s14+$0x1C10];
	_ =	sdelay $0x4  }
0x141: {  	v61 =	vshrl.u32 v8, $0xB  }
0x142: {  	vm13 =	veq.s32 v61, v7  }
0x143: {  	v8 =	vand.u32 $0x7FF, v8;
	_ =	sdelay $0x4  }
0x144: {  	[tilespmem:v8+s9+$0x0] =	vst.idx.add.s32.msk vm13, v2  }
0x145: {  	v8 =	vld [tilespmem:s14+$0x1C20];
	_ =	sdelay $0x4  }
0x146: {  	v62 =	vshrl.u32 v8, $0xB  }
0x147: {  	vm14 =	veq.s32 v62, v7  }
0x148: {  	v8 =	vand.u32 $0x7FF, v8;
	_ =	sdelay $0x4  }
0x149: {  	[tilespmem:v8+s9+$0x0] =	vst.idx.add.s32.msk vm14, v2  }
0x14a: {  	v8 =	vld [tilespmem:s14+$0x1C30];
	_ =	sdelay $0x4  }
0x14b: {  	v63 =	vshrl.u32 v8, $0xB  }
0x14c: {  	vm15 =	veq.s32 v63, v7  }
0x14d: {  	p0 =	sne.s32 s13, $0x3700;
	v8 =	vand.u32 $0x7FF, v8  }
.Ltmp9:
0x14e: {  	_ = 	snop;
	(pc) =	sbr.rel @p0 .LBB2_19-.Ltmp9, $2  }
0x14f: {  	_ =	sdelay $0x2  }
0x150: {  	s13 =	sadd.s32 $0x100, s13;
	[tilespmem:v8+s9+$0x0] =	vst.idx.add.s32.msk vm15, v2  }
0x151: {  	(xrf0) =	vadd.scan.msk.s32 $0xffff, v6;
	_ =	sdelay $0x5  }
0x152: {  	(v2sf) =	vpush v5, $0xF;
	v5, _, _ =	vpop (xrf0)  }
0x153: {  	s16 =	simm.s32 $0x2A00;
	(v2sf) =	vpush v5, $0xF  }
0x154: {  	v5 =	vld [tilespmem:s16+$0x0]  }
0x155: {  	s28 =	simm.s32 $0x2A10  }
0x156: {  	v6 =	vld [tilespmem:s28+$0x0];
	_ =	sdelay $0x1  }
0x157: {  	s29 =	simm.s32 $0x2A20  }
0x158: {  	v7 =	vld [tilespmem:s29+$0x0];
	(xrf0) =	vadd.scan.msk.s32 $0xffff, v5;
	_ =	sdelay $0x1  }
0x159: {  	(xrf0) =	vadd.scan.msk.s32 $0xffff, v6;
	_ =	sdelay $0x2  }
0x15a: {  	s30 =	simm.s32 $0x2A30;
	(xrf0) =	vadd.scan.msk.s32 $0xffff, v7  }
0x15b: {  	v5 =	vld [tilespmem:s30+$0x0];
	v6, _, _ =	vpop (xrf0)  }
0x15c: {  	(v2sf) =	vpush v6, $0xF  }
0x15d: {  	s13 =	spop (v2sf);
	v7, _, _ =	vpop (xrf0)  }
0x15e: {  	s14 =	spop (v2sf);
	(v2sf) =	vpush v7, $0xF  }
0x15f: {  	s13 =	sadd.s32 s13, s14  }
0x160: {  	(xrf0) =	vadd.scan.msk.s32 $0xffff, v5;
	v5, _, _ =	vpop (xrf0);
	s17 =	sadd.s32 $0x0, s13  }
0x161: {  	s15 =	simm.s32 $0x0;
	(v2sf) =	vpush v5, $0xF;
	v6 =	vadd.s32 s17, v6  }
0x162: {  	vm0 =	vgt.s32 v6, $0x865;
	v6 =	vor.u32 s15, v3  }
0x163: {  	v6 =	vnsel vm0, $0xC0000000, v6;
	_ =	sdelay $0x2  }
0x164: {  	s31 =	simm.s32 $0x2A40;
	(xrf0) =	vmin.scan.msk.u32 $0xffff, v6;
	v6, _, _ =	vpop (xrf0)  }
0x165: {  	v8 =	vld [tilespmem:s31+$0x0];
	(v2sf) =	vpush v6, $0xF;
	_ =	sdelay $0x3  }
0x166: {  	s18 =	spop (v2sf)  }
0x167: {  	s19 =	simm.s32 $0x2A50;
	(xrf0) =	vadd.scan.msk.s32 $0xffff, v8;
	s15 =	sadd.s32 $0x0, s18  }
0x168: {  	v9 =	vld [tilespmem:s19+$0x0];
	s20 =	sadd.s32 s13, s15;
	s21 =	spop (v2sf)  }
0x169: {  	s22 =	simm.s32 $0x2A60;
	s18 =	simm.s32 $0x10;
	v7 =	vadd.s32 s20, v7;
	s15 =	sadd.s32 s15, s21  }
0x16a: {  	v10 =	vld [tilespmem:s22+$0x0];
	vm12 =	vgt.s32 v7, $0x865;
	v7 =	vor.u32 s18, v3;
	s23 =	sadd.s32 s13, s15  }
0x16b: {  	s25 =	simm.s32 $0x20;
	v8, _, _ =	vpop (xrf0);
	s24 =	spop (v2sf);
	v7 =	vnsel vm12, $0xC0000000, v7;
	v5 =	vadd.s32 s23, v5  }
0x16c: {  	(v2sf) =	vpush v8, $0xF;
	s15 =	sadd.s32 s15, s24;
	(xrf0) =	vmin.scan.msk.u32 $0xffff, v7;
	vm13 =	vgt.s32 v5, $0x865;
	v5 =	vor.u32 s25, v3  }
0x16d: {  	v8, _, _ =	vpop (xrf0);
	s16 =	sadd.s32 s13, s15;
	(xrf0) =	vadd.scan.msk.s32 $0xffff, v9;
	v5 =	vnsel vm13, $0xC0000000, v5  }
0x16e: {  	s26 =	simm.s32 $0x30;
	(v2sf) =	vpush v8, $0xF;
	v6 =	vadd.s32 s16, v6;
	(xrf0) =	vmin.scan.msk.u32 $0xffff, v5  }
0x16f: {  	s28 =	simm.s32 $0x2A70;
	vm14 =	vgt.s32 v6, $0x865;
	v5 =	vor.u32 s26, v3;
	(xrf0) =	vadd.scan.msk.s32 $0xffff, v10  }
0x170: {  	v6 =	vld [tilespmem:s28+$0x0];
	v5 =	vnsel vm14, $0xC0000000, v5  }
0x171: {  	s29 =	spop (v2sf)  }
0x172: {  	v7, _, _ =	vpop (xrf0);
	s20 =	sadd.s32 s15, s29  }
0x173: {  	(xrf0) =	vmin.scan.msk.u32 $0xffff, v5;
	v5, _, _ =	vpop (xrf0);
	(v2sf) =	vpush v7, $0xF;
	s15 =	sadd.s32 s13, s20  }
0x174: {  	(v2sf) =	vpush v5, $0xF;
	v7 =	vadd.s32 s15, v8;
	v8, _, _ =	vpop (xrf0)  }
0x175: {  	(xrf0) =	vadd.scan.msk.s32 $0xffff, v6;
	(v2sf) =	vpush v8, $0xF;
	v6, _, _ =	vpop (xrf0)  }
0x176: {  	(v2sf) =	vpush v6, $0xF;
	_ =	sdelay $0x1  }
0x177: {  	s30 =	simm.s32 $0x40  }
0x178: {  	vm15 =	vgt.s32 v7, $0x865;
	v7 =	vor.u32 s30, v3  }
0x179: {  	s19 =	simm.s32 $0x50;
	s22 =	simm.s32 $0x90;
	v8 =	vnsel vm15, $0xC0000000, v7  }
0x17a: {  	s14 =	simm.s32 $0x40000000;
	s21 =	simm.s32 $0x2A80;
	s31 =	spop (v2sf)  }
0x17b: {  	s17 =	simm.s32 $0x60;
	s16 =	simm.s32 $0x70;
	s18 =	sxor.u32 $0x80000000, s31;
	v7 =	vld [tilespmem:s21+$0x0]  }
0x17c: {  	s15 =	simm.s32 $0x80;
	s23 =	spop (v2sf);
	(xrf0) =	vmin.scan.msk.u32 $0xffff, v8;
	p0 =	sgt.s32 s18, $0x40000000;
	v8, _, _ =	vpop (xrf0)  }
.LBB2_21:
0x17d: {  	s24 =	smov.u32 s14  }
0x17e: {  	s20 =	sadd.s32 s20, s23;
	s14 =	smov.u32 s18;
	s23 =	smov.u32 s22  }
0x17f: {  	p1 =	seq.s32 s22, $0x7F0;
	(v2sf) =	vpush v8, $0xF;
	s14 =	smov.u32 @p0 s24;
	s24 =	sadd.s32 $0x10, s22  }
.Ltmp10:
0x180: {  	s21 =	sadd.s32 $0x10, s21;
	s18 =	sadd.s32 s13, s20;
	(xrf0) =	vadd.scan.msk.s32 $0xffff, v7;
	v8, _, _ =	vpop (xrf0);
	(pc) =	sbr.rel @!p1 .LBB2_21-.Ltmp10, $4  }
0x181: {  	v9 =	vadd.s32 s18, v5;
	v5 =	vmovc v6;
	v7 =	vld [tilespmem:s21+$0x0];
	(v2sf) =	vpush v8, $0xF;
	v6 =	vmov v8  }
0x182: {  	v10 =	vor.u32 s19, v3;
	s19 =	smov.u32 s17;
	s17 =	smov.u32 s16;
	vm0 =	vgt.s32 v9, $0x865;
	s18 =	spop (v2sf)  }
0x183: {  	s16 =	smov.u32 s15;
	s15 =	smov.u32 s23;
	v9 =	vnsel vm0, $0xC0000000, v10;
	s18 =	sxor.u32 $0x80000000, s18  }
0x184: {  	s22 =	smov.u32 s24;
	(xrf0) =	vmin.scan.msk.u32 $0xffff, v9;
	s23 =	spop (v2sf);
	v8, _, _ =	vpop (xrf0);
	p0 =	slt.s32 s14, s18  }
0x185: {  	_ = 	snop  }
0x186: {  	(v2sf) =	vpush v8, $0xF;
	v8, _, _ =	vpop (xrf0)  }
0x187: {  	(v2sf) =	vpush v8, $0xF;
	_ =	sdelay $0x9  }
0x188: {  	s20 =	sadd.s32 s20, s23;
	s21 =	spop (v2sf)  }
0x189: {  	(xrf0) =	vadd.scan.msk.s32 $0xffff, v7;
	s22 =	sadd.s32 s13, s20;
	s31 =	spop (v2sf)  }
0x18a: {  	v5 =	vadd.s32 s22, v5;
	s20 =	sadd.s32 s20, s31;
	s24 =	spop (v2sf)  }
0x18b: {  	vm0 =	vgt.s32 v5, $0x865;
	v5 =	vor.u32 s19, v3;
	s25 =	sadd.s32 s13, s20;
	s26 =	spop (v2sf)  }
0x18c: {  	v5 =	vnsel vm0, $0xC0000000, v5;
	v6 =	vadd.s32 s25, v6;
	s28 =	sadd.s32 s20, s26;
	s29 =	spop (v2sf)  }
0x18d: {  	(xrf0) =	vmin.scan.msk.u32 $0xffff, v5;
	vm12 =	vgt.s32 v6, $0x865;
	v5 =	vor.u32 s17, v3;
	s30 =	sadd.s32 s13, s28;
	s31 =	spop (v2sf)  }
0x18e: {  	v7, _, _ =	vpop (xrf0);
	v5 =	vnsel vm12, $0xC0000000, v5;
	v6 =	vadd.s32 s30, v8;
	s19 =	sadd.s32 s28, s31  }
0x18f: {  	v8, _, _ =	vpop (xrf0);
	(xrf0) =	vmin.scan.msk.u32 $0xffff, v5;
	v5 =	vor.u32 s16, v3;
	vm13 =	vgt.s32 v6, $0x865;
	s23 =	sadd.s32 s13, s19  }
0x190: {  	v5 =	vnsel vm13, $0xC0000000, v5;
	v6 =	vadd.s32 s23, v8  }
0x191: {  	(xrf0) =	vmin.scan.msk.u32 $0xffff, v5;
	v5 =	vor.u32 s15, v3;
	vm14 =	vgt.s32 v6, $0x865  }
0x192: {  	(v2sf) =	vpush v7, $0xF;
	v5 =	vnsel vm14, $0xC0000000, v5  }
0x193: {  	(v2sf) =	vpush v8, $0xF;
	v6, _, _ =	vpop (xrf0);
	(xrf0) =	vmin.scan.msk.u32 $0xffff, v5  }
0x194: {  	(v2sf) =	vpush v6, $0xF  }
0x195: {  	v5, _, _ =	vpop (xrf0)  }
0x196: {  	(v2sf) =	vpush v5, $0xF  }
0x197: {  	v5, _, _ =	vpop (xrf0)  }
0x198: {  	(v2sf) =	vpush v5, $0xF  }
0x199: {  	v5, _, _ =	vpop (xrf0)  }
0x19a: {  	(v2sf) =	vpush v5, $0xF;
	_ =	sdelay $0x1  }
0x19b: {  	s18 =	smov.u32 @p0 s14;
	s14 =	sxor.u32 $0x80000000, s21  }
0x19c: {  	p0 =	slt.s32 s18, s14  }
0x19d: {  	s14 =	smov.u32 @p0 s18;
	s15 =	sxor.u32 $0x80000000, s24  }
0x19e: {  	p0 =	slt.s32 s14, s15  }
0x19f: {  	s15 =	smov.u32 @p0 s14;
	s14 =	sxor.u32 $0x80000000, s29  }
0x1a0: {  	p0 =	slt.s32 s15, s14;
	s24 =	spop (v2sf)  }
0x1a1: {  	s14 =	smov.u32 @p0 s15;
	s15 =	sxor.u32 $0x80000000, s24;
	s25 =	spop (v2sf)  }
0x1a2: {  	p0 =	slt.s32 s14, s15;
	s16 =	spop (v2sf)  }
0x1a3: {  	s15 =	smov.u32 @p0 s14;
	s14 =	sxor.u32 $0x80000000, s16  }
0x1a4: {  	p0 =	slt.s32 s15, s14;
	s26 =	spop (v2sf)  }
0x1a5: {  	s14 =	smov.u32 @p0 s15;
	s15 =	sxor.u32 $0x80000000, s26  }
0x1a6: {  	s28 =	spop (v2sf);
	p0 =	slt.s32 s14, s15  }
0x1a7: {  	s16 =	sxor.u32 $0x80000000, s28;
	s15 =	smov.u32 @p0 s14  }
0x1a8: {  	s31 =	simm.s32 $0x2A00;
	p0 =	slt.s32 s15, s16;
	s29 =	spop (v2sf)  }
0x1a9: {  	v7 =	vld [tilespmem:s31+$0x0];
	s16 =	smov.u32 @p0 s15;
	s14 =	sxor.u32 $0x80000000, s29  }
0x1aa: {  	p0 =	slt.s32 s16, s14  }
0x1ab: {  	s30 =	simm.s32 $0x0;
	s14 =	smov.u32 @p0 s16  }
0x1ac: {  	v8 =	vor.u32 s30, v1;
	v6 =	vmov s14  }
0x1ad: {  	vm15 =	vlt.s32 v8, v6  }
0x1ae: {  	v5 =	vimm.s32 $0x0;
	s15 =	simm.s32 $0x10;
	s16 =	simm.s32 $0x2A10;
	v7 =	vnsel vm15, $0x0, v7  }
.LBB2_23:
0x1af: {  	v8 =	vld [tilespmem:s16+$0x0];
	p0 =	sne.s32 s15, $0x7F0;
	v5 =	vadd.s32 v5, v7;
	s17 =	smov.u32 s15;
	s15 =	sadd.s32 $0x10, s15  }
.Ltmp11:
0x1b0: {  	(pc) =	sbr.rel @p0 .LBB2_23-.Ltmp11, $4  }
0x1b1: {  	_ = 	snop  }
0x1b2: {  	v7 =	vor.u32 s17, v1  }
0x1b3: {  	vm0 =	vlt.s32 v7, v6  }
0x1b4: {  	s16 =	sadd.s32 $0x10, s16;
	v7 =	vnsel vm0, $0x0, v8  }
0x1b5: {  	v5 =	vadd.s32 v5, v7  }
0x1b6: {  	(xrf0) =	vadd.scan.msk.s32 $0xffff, v5;
	_ =	sdelay $0x1  }
0x1b7: {  	s15 =	simm.s32 $0x0  }
0x1b8: {  	v8 =	vld [tilespmem:s15+$0x1C00]  }
0x1b9: {  	v9 =	vld [tilespmem:s15+$0x1C10]  }
0x1ba: {  	s12 =	sshll.u32 s12, $0xB;
	v10 =	vld [tilespmem:s15+$0x1C20]  }
0x1bb: {  	s12 =	sor.u32 s12, s14;
	v11 =	vld [tilespmem:s15+$0x1C30];
	v5, _, _ =	vpop (xrf0)  }
0x1bc: {  	(v2sf) =	vpush v5, $0xF;
	v5 =	vmov s12  }
0x1bd: {  	vm1 =	veq.s32 v8, v5  }
0x1be: {  	vm2 =	veq.s32 v9, v5;
	v6 =	vsel vm1, $0x1, v0  }
0x1bf: {  	vm0 =	veq.s32 v10, v5;
	(xrf0) =	vadd.scan.msk.s32 $0xffff, v6;
	v6 =	vsel vm2, $0x1, v0  }
0x1c0: {  	vm3 =	veq.s32 v11, v5;
	v7 =	vsel vm0, $0x1, v0;
	(xrf0) =	vadd.scan.msk.s32 $0xffff, v6  }
0x1c1: {  	v6 =	vsel vm3, $0x1, v0;
	(xrf0) =	vadd.scan.msk.s32 $0xffff, v7  }
0x1c2: {  	(xrf0) =	vadd.scan.msk.s32 $0xffff, v6;
	_ =	sdelay $0x1  }
0x1c3: {  	s14 =	simm.s32 $0x40  }
0x1c4: {  	v16 =	vld [tilespmem:s14+$0x1C00];
	v13, _, _ =	vpop (xrf0)  }
0x1c5: {  	(v2sf) =	vpush v13, $0xF;
	v17, _, _ =	vpop (xrf0)  }
0x1c6: {  	v14 =	vld [tilespmem:s14+$0x1C10];
	(v2sf) =	vpush v17, $0xF;
	v19, _, _ =	vpop (xrf0)  }
0x1c7: {  	v12 =	vld [tilespmem:s14+$0x1C20];
	(v2sf) =	vpush v19, $0xF;
	v20, _, _ =	vpop (xrf0)  }
0x1c8: {  	(v2sf) =	vpush v20, $0xF  }
0x1c9: {  	vm4 =	veq.s32 v16, v5  }
0x1ca: {  	v15 =	vsel vm4, $0x1, v0;
	s28 =	spop (v2sf)  }
0x1cb: {  	v18 =	vimm.f32 $0.0e+00;
	vm5 =	vlt.s32 v8, v5;
	v7 =	vld [tilespmem:s14+$0x1C30];
	(xrf0) =	vadd.scan.msk.s32 $0xffff, v15;
	s12 =	sadd.s32 s28, s13  }
0x1cc: {  	s29 =	simm.s32 $0x0;
	vm6 =	veq.s32 v14, v5;
	vm9 =	veq.s32 v12, v5;
	vm12 =	vlt.s32 v9, v5;
	s12 =	ssub.s32 $0x866, s12  }
0x1cd: {  	vm1 =	vmmov vm1;
	v8 =	vadd.s32 s29, v13;
	v6 =	vmov s12  }
0x1ce: {  	vm2 =	vmmov vm2;
	v13 =	vld [tilespmem:s15+$0xE00];
	vm7 =	vle.s32 v8, v6;
	v8 =	vsel vm6, $0x1, v0  }
0x1cf: {  	vm10 =	vmmov vm0;
	vm3 =	vmmov vm3;
	vm11 =	vmmov vm2;
	(xrf0) =	vadd.scan.msk.s32 $0xffff, v8  }
0x1d0: {  	v15 =	vsel vm9, $0x1, v0;
	vm8 =	veq.s32 v7, v5;
	s12 =	simm.s32 $0x80;
	vm1 =	vmand vm1, vm7  }
0x1d1: {  	vm2 =	vmmov vm6;
	v21, _, _ =	vpop (xrf0);
	v8 =	vsel vm8, $0x1, v0;
	vm0 =	vmor vm5, vm1;
	(xrf0) =	vadd.scan.msk.s32 $0xffff, v15;
	v15 =	vld [tilespmem:s12+$0x1C00]  }
0x1d2: {  	(v2sf) =	vpush v21, $0xF;
	vm6 =	vlt.s32 v11, v5;
	v22 =	vsel vm0, $0x3F800000, v4;
	(xrf0) =	vadd.scan.msk.s32 $0xffff, v8;
	v8 =	vld [tilespmem:s12+$0x1C30]  }
0x1d3: {  	vm7 =	vmmov vm3;
	vm5 =	vmmov vm4;
	v22 =	vmul.f32 v22, v13  }
0x1d4: {  	vm1 =	vmmov vm9;
	vm9 =	vlt.s32 v16, v5;
	vm0 =	vmmov vm8;
	s30 =	spop (v2sf)  }
0x1d5: {  	vm8 =	vmmov vm10;
	vm10 =	vlt.s32 v10, v5;
	v18 =	vadd.f32 v22, v18;
	s13 =	sadd.s32 $0x0, s30;
	v13, _, _ =	vpop (xrf0);
	s16 =	spop (v2sf)  }
0x1d6: {  	vm3 =	veq.s32 v15, v5;
	v9 =	vadd.s32 s13, v17;
	(v2sf) =	vpush v13, $0xF;
	s16 =	sadd.s32 s13, s16;
	s31 =	spop (v2sf)  }
0x1d7: {  	v10 =	vld [tilespmem:s12+$0x1C10];
	v11, _, _ =	vpop (xrf0);
	v17 =	vsel vm3, $0x1, v0;
	vm4 =	veq.s32 v8, v5;
	vm13 =	vle.s32 v9, v6;
	s13 =	sadd.s32 s16, s31;
	s17 =	spop (v2sf)  }
0x1d8: {  	v9 =	vld [tilespmem:s12+$0x1C20];
	(v2sf) =	vpush v11, $0xF;
	v16, _, _ =	vpop (xrf0);
	v19 =	vadd.s32 s16, v19;
	v20 =	vadd.s32 s13, v20;
	s13 =	sadd.s32 s13, s17  }
0x1d9: {  	(xrf0) =	vadd.scan.msk.s32 $0xffff, v17;
	(v2sf) =	vpush v16, $0xF;
	vm11 =	vmand vm11, vm13;
	v17 =	vadd.s32 s13, v21;
	v21 =	vld [tilespmem:s15+$0xE10]  }
0x1da: {  	vm11 =	vmor vm12, vm11;
	vm12 =	vle.s32 v19, v6;
	vm13 =	vle.s32 v20, v6  }
0x1db: {  	vm14 =	vle.s32 v17, v6;
	vm8 =	vmand vm8, vm12;
	vm7 =	vmand vm7, vm13  }
0x1dc: {  	v17 =	vsel vm11, $0x3F800000, v4;
	vm12 =	vmand vm5, vm14;
	vm10 =	vmor vm10, vm8  }
0x1dd: {  	v19 =	vld [tilespmem:s15+$0xE20];
	vm8 =	veq.s32 v10, v5;
	vm6 =	vmor vm6, vm7;
	vm5 =	veq.s32 v9, v5  }
0x1de: {  	v20 =	vld [tilespmem:s15+$0xE30];
	v23 =	vsel vm8, $0x1, v0;
	vm9 =	vmor vm9, vm12;
	v24 =	vmul.f32 v17, v21  }
0x1df: {  	s17 =	simm.s32 $0x300;
	v22 =	vsel vm10, $0x3F800000, v4;
	v25 =	vsel vm5, $0x1, v0;
	v17, _, _ =	vpop (xrf0);
	v21 =	vld [tilespmem:s14+$0xE00];
	(xrf0) =	vadd.scan.msk.s32 $0xffff, v23;
	v23 =	vsel vm9, $0x3F800000, v4  }
.LBB2_25:
0x1e0: {  	v26 =	vsel vm4, $0x1, v0;
	v18 =	vadd.f32 v24, v18;
	v24 =	vsel vm6, $0x3F800000, v4;
	s15 =	smov.u32 s17  }
0x1e1: {  	s16 =	sshra.s32 s17, $0x2;
	(xrf0) =	vadd.scan.msk.s32 $0xffff, v25;
	s18 =	spop (v2sf);
	vm6 =	vmmov vm3;
	vm9 =	vmmov vm0;
	vm0 =	vmmov vm4;
	s15 =	sadd.s32 $0x100, s17  }
0x1e2: {  	p0 =	sne.s32 s17, $0x3700;
	v19 =	vmul.f32 v22, v19;
	vm11 =	vmmov vm2;
	v25 =	vld [tilespmem:s16+$0x1C00];
	(v2sf) =	vpush v17, $0xF;
	(xrf0) =	vadd.scan.msk.s32 $0xffff, v26  }
0x1e3: {  	vm2 =	vmmov vm8;
	vm8 =	vmmov vm1;
	v20 =	vmul.f32 v24, v20  }
0x1e4: {  	vm1 =	vmmov vm5;
	v18 =	vadd.f32 v19, v18;
	v21 =	vmul.f32 v23, v21;
	v22 =	vld [tilespmem:s16+$0x1C30]  }
0x1e5: {  	vm12 =	vlt.s32 v14, v5;
	vm5 =	vlt.s32 v12, v5;
	vm7 =	vlt.s32 v7, v5;
	v7 =	vmovc v8;
	s13 =	sadd.s32 s13, s18  }
0x1e6: {  	vm10 =	vlt.s32 v15, v5;
	v8 =	vadd.s32 s13, v13;
	v12 =	vadd.f32 v20, v18;
	v13, _, _ =	vpop (xrf0);
	s17 =	spop (v2sf)  }
0x1e7: {  	vm13 =	vle.s32 v8, v6;
	vm3 =	veq.s32 v25, v5;
	(v2sf) =	vpush v13, $0xF;
	v14, _, _ =	vpop (xrf0);
	s17 =	sadd.s32 s13, s17;
	s13 =	spop (v2sf)  }
0x1e8: {  	v18 =	vadd.f32 v21, v12;
	v24 =	vsel vm3, $0x1, v0;
	v20 =	vld [tilespmem:s16+$0x1C20];
	(v2sf) =	vpush v14, $0xF;
	v19, _, _ =	vpop (xrf0);
	s13 =	sadd.s32 s17, s13;
	s18 =	spop (v2sf)  }
0x1e9: {  	v15 =	vmovc v25;
	v21 =	vld [tilespmem:s16+$0x1C10];
	vm4 =	veq.s32 v22, v5;
	(xrf0) =	vadd.scan.msk.s32 $0xffff, v24;
	(v2sf) =	vpush v19, $0xF;
	v24 =	vadd.s32 s13, v16;
	s13 =	sadd.s32 s13, s18  }
0x1ea: {  	vm11 =	vmand vm11, vm13;
	v25 =	vadd.s32 s17, v11;
	v11 =	vmovc v14;
	v8 =	vmovc v22;
	v17 =	vadd.s32 s13, v17;
	v23 =	vld [tilespmem:s14+$0xE10]  }
0x1eb: {  	vm11 =	vmor vm12, vm11;
	v12 =	vmovc v9;
	vm12 =	vle.s32 v25, v6;
	v16 =	vmovc v19;
	vm13 =	vle.s32 v24, v6  }
.Ltmp12:
0x1ec: {  	v14 =	vmovc v10;
	vm8 =	vmand vm8, vm12;
	vm14 =	vle.s32 v17, v6;
	vm9 =	vmand vm9, vm13;
	v19 =	vld [tilespmem:s14+$0xE20];
	(pc) =	sbr.rel @p0 .LBB2_25-.Ltmp12, $4  }
0x1ed: {  	v24 =	vsel vm11, $0x3F800000, v4;
	vm11 =	vmor vm5, vm8;
	vm6 =	vmand vm6, vm14;
	v9 =	vmovc v20  }
0x1ee: {  	v22 =	vsel vm11, $0x3F800000, v4;
	vm8 =	veq.s32 v21, v5;
	vm5 =	veq.s32 v9, v5;
	v20 =	vld [tilespmem:s14+$0xE30];
	v10 =	vmovc v21;
	s14 =	smov.u32 s12;
	s12 =	smov.u32 s16  }
0x1ef: {  	vm6 =	vmor vm10, vm6;
	v26 =	vsel vm8, $0x1, v0;
	v17, _, _ =	vpop (xrf0);
	v21 =	vld [tilespmem:s14+$0xE00];
	v24 =	vmul.f32 v24, v23  }
0x1f0: {  	s17 =	smov.u32 s15;
	v25 =	vsel vm5, $0x1, v0;
	v23 =	vsel vm6, $0x3F800000, v4;
	vm6 =	vmor vm7, vm9;
	(xrf0) =	vadd.scan.msk.s32 $0xffff, v26  }
0x1f1: {  	_ = 	snop  }
0x1f2: {  	(xrf0) =	vadd.scan.msk.s32 $0xffff, v25;
	_ =	sdelay $0x2  }
0x1f3: {  	v39 =	vsel vm4, $0x1, v0;
	(v2sf) =	vpush v17, $0xF  }
0x1f4: {  	v18 =	vadd.f32 v24, v18;
	v40 =	vsel vm6, $0x3F800000, v4;
	vm6 =	vmmov vm3;
	v26, _, _ =	vpop (xrf0)  }
0x1f5: {  	vm3 =	vmmov vm0;
	v19 =	vmul.f32 v22, v19;
	(v2sf) =	vpush v26, $0xF  }
0x1f6: {  	vm0 =	vmmov vm4;
	vm13 =	vmmov vm2;
	vm2 =	vmmov vm8;
	v41, _, _ =	vpop (xrf0)  }
0x1f7: {  	s15 =	spop (v2sf);
	vm7 =	vmmov vm1;
	vm1 =	vmmov vm5;
	(v2sf) =	vpush v41, $0xF  }
0x1f8: {  	vm14 =	vlt.s32 v14, v5;
	vm8 =	vlt.s32 v12, v5;
	vm9 =	vlt.s32 v7, v5;
	s13 =	sadd.s32 s13, s15  }
0x1f9: {  	v44 =	vld [tilespmem:s14+$0xE10];
	v20 =	vmul.f32 v40, v20;
	v18 =	vadd.f32 v19, v18;
	v7 =	vadd.s32 s13, v13  }
0x1fa: {  	vm10 =	vlt.s32 v15, v5;
	vm0 =	vmmov vm0;
	vm11 =	vle.s32 v7, v6;
	s16 =	spop (v2sf)  }
0x1fb: {  	v42 =	vmul.f32 v23, v21;
	v43 =	vadd.f32 v20, v18;
	vm4 =	vmand vm13, vm11;
	s16 =	sadd.s32 s13, s16  }
0x1fc: {  	v47 =	vld [tilespmem:s14+$0xE20];
	vm2 =	vmmov vm2;
	vm4 =	vmor vm14, vm4;
	s24 =	spop (v2sf);
	v11 =	vadd.s32 s16, v11  }
0x1fd: {  	v7 =	vadd.f32 v42, v43;
	v48 =	vsel vm4, $0x3F800000, v4;
	s25 =	sadd.s32 s16, s24;
	s26 =	spop (v2sf);
	vm5 =	vle.s32 v11, v6  }
0x1fe: {  	v49 =	vld [tilespmem:s14+$0xE30];
	v45 =	vadd.s32 s25, v16;
	s13 =	sadd.s32 s25, s26;
	v11 =	vmul.f32 v48, v44;
	vm5 =	vmand vm7, vm5  }
0x1ff: {  	v46 =	vadd.s32 s13, v17;
	vm11 =	vle.s32 v45, v6;
	vm5 =	vmor vm8, vm5  }
0x200: {  	v50 =	vld [tilespmem:s12+$0xE00];
	vm12 =	vle.s32 v46, v6;
	vm3 =	vmand vm3, vm11;
	v51 =	vsel vm5, $0x3F800000, v4  }
0x201: {  	(xrf0) =	vadd.scan.msk.s32 $0xffff, v39;
	v7 =	vadd.f32 v11, v7;
	vm3 =	vmor vm9, vm3;
	v52 =	vmul.f32 v51, v47  }
0x202: {  	vm1 =	vmmov vm1;
	vm15 =	vmand vm6, vm12;
	v54 =	vsel vm3, $0x3F800000, v4;
	s28 =	spop (v2sf)  }
0x203: {  	vm4 =	vmor vm10, vm15;
	v12 =	vmul.f32 v54, v49;
	v7 =	vadd.f32 v52, v7;
	s13 =	sadd.s32 s13, s28  }
0x204: {  	v57 =	vld [tilespmem:s12+$0xE10];
	vm12 =	vlt.s32 v9, v5;
	v53 =	vsel vm4, $0x3F800000, v4;
	v56 =	vadd.s32 s13, v26;
	s29 =	spop (v2sf)  }
0x205: {  	v55 =	vmul.f32 v53, v50;
	v7 =	vadd.f32 v12, v7;
	vm11 =	vle.s32 v56, v6;
	s13 =	sadd.s32 s13, s29  }
0x206: {  	v59 =	vld [tilespmem:s12+$0xE20];
	vm10 =	vlt.s32 v10, v5;
	vm2 =	vmand vm2, vm11;
	s30 =	spop (v2sf);
	v58 =	vadd.s32 s13, v41  }
0x207: {  	v60, _, _ =	vpop (xrf0);
	v7 =	vadd.f32 v55, v7;
	vm2 =	vmor vm10, vm2;
	s13 =	sadd.s32 s13, s30;
	vm13 =	vle.s32 v58, v6  }
0x208: {  	v63 =	vld [tilespmem:s12+$0xE30];
	v62 =	vsel vm2, $0x3F800000, v4;
	v61 =	vadd.s32 s13, v60;
	vm1 =	vmand vm1, vm13  }
0x209: {  	vm14 =	vle.s32 v61, v6;
	v6 =	vmul.f32 v62, v57;
	vm1 =	vmor vm12, vm1  }
0x20a: {  	vm15 =	vlt.s32 v8, v5;
	vm0 =	vmand vm0, vm14;
	v5 =	vsel vm1, $0x3F800000, v4  }
0x20b: {  	vm0 =	vmor vm15, vm0;
	v6 =	vadd.f32 v6, v7;
	v5 =	vmul.f32 v5, v59  }
0x20c: {  	v7 =	vsel vm0, $0x3F800000, v4  }
0x20d: {  	v7 =	vmul.f32 v7, v63;
	v5 =	vadd.f32 v5, v6;
	_ =	sdelay $0x1  }
0x20e: {  	(v2sf) =	vpush v60, $0xF;
	v5 =	vadd.f32 v7, v5;
	_ =	sdelay $0x1  }
0x20f: {  	(xrf2) =	vadd.scan.msk.f32 $0xffff, v5;
	_ =	sdelay $0x9  }
0x210: {  	v5, _, _ =	vpop (xrf2)  }
0x211: {  	s11 =	sadd.s32 $0x1, s11;
	v5 =	vbroadcast v5, $0xF  }
0x212: {  	p0 =	sne.s32 s11, s5  }
.Ltmp13:
0x213: {  	s31 =	spop (v2sf);
	[tilespmem:$0x3200] =	vst v5;
	(pc) =	sbr.rel @p0 .LBB2_2-.Ltmp13, $4  }
0x214: {  	[hbm4b:s3+s6] =	stream.linear.scatter [tilespmem:s10], [sflag:$0x1], $0x80, $0x38;
	[tilespmem:$0x3280] =	vst v63  }
0x215: {  	_ =	swait.ge [sflag:s7], $0x80  }
0x216: {  	[sflag:s7] =	ssyncset.done $0x0  }
0x217: {  	[sflag:s7] =	ssyncadd.s32 $0xFFFFFF80  }
.LBB2_27:
0x218: {  	_ =	sfence.sel $0x180000  }
0x219: {  	[bflag:$0x0] =	sbarrier.arrive $0xFFFF  }
0x21a: {  	p0 =	sne.s32 s0, $0x0;
	_ =	strace $0x90000047  }
0x21b: {  	s0 =	sadd.s32 @!p0 $0x100000, s1;
	[bflag:$0x2] =	sbarrier.arrive $0xFFFF  }
0x21c: {  	[sflag:s0] =	ssyncadd.tile.s32 @!p0 $0x1;
	_ =	shalt  }
.Lfunc_end2:
_tile_overlayer_lowered:
.L_overlay_start_2:
0x21d: {  	(tag) =	ssettag $0x2  }
0x21e: {  	s0 =	rddreg [dreg:$0x0];
	s2 =	stileid.u32  }
0x21f: {  	s1 =	rddreg [dreg:$0x1];
	p0 =	sne.s32 s2, $0x0  }
0x220: {  	s3 =	rddreg [dreg:$0x2];
	[bflag:$0x3] =	sbarrier.arrive $0xFFFF;
	s2 =	simm.s32 @!p0 $0x1C01  }
0x221: {  	[timem:s3], [sflag:s2] =	dma.local @!p0 [hbm:s0], s1  }
0x222: {  	s0 =	simm.s32 @!p0 $0x1  }
0x223: {  	_ =	swait.ge @!p0 [sflag:s0], s1  }
0x224: {  	s1 =	ssub.s32 @!p0 $0x0, s1;
	[sflag:s0] =	ssyncset.done @!p0 $0x0  }
0x225: {  	[sflag:s0] =	ssyncadd.s32 @!p0 s1  }
0x226: {  	[bflag:$0x3] =	sbarrier.arrive $0xFFFF  }
0x227: {  	_ =	shalt  }

</sc_bundles>
